<compile_context>
chip_gen: v7x
topology: tpu7x:2x2x1
jax: 0.10.2.dev20260603
libtpu: 0.0.44.dev20260713+nightly
codegen_flags: <defaults>
</compile_context>

<pallas_src>
import jax
import jax.numpy as jnp
from jax import lax
from jax.experimental import pallas as pl
from jax.experimental.pallas import tpu as pltpu
from jax.experimental.pallas import tpu_sc as plsc

N = 10000
E = 320000
D = 128
EPS = 1e-3

NC = 2
NS = 16
NW = NC * NS

CHUNK = 128
K0 = 160
K1 = 0
LP = 40
SPIN = 40000
CH_TOT = NS * (K0 + K1)
E_PAD = CH_TOT * CHUNK
R = 10240
ROWS_PER_TILE = R // NS



def _sc_aggregate_body(src_hbm, dst_hbm, h_hbm, out_hbm,
                       idx_s, idx_d, rows, rows2, spin_v, aggr_sh,
                       gsa, gsb, ssa, ssb):
    c = lax.axis_index("c")
    s = lax.axis_index("s")

    with jax.named_scope("agg_zero"):
        def zero_row(i, _):
            for j in range(D // 16):
                rows[i, pl.ds(j * 16, 16)] = jnp.zeros((16,), jnp.float32)
            return 0
        lax.fori_loop(0, CHUNK, zero_row, 0)

        def zero_copy(k, _):
            pltpu.sync_copy(
                rows, aggr_sh.at[pl.ds(s * ROWS_PER_TILE + k * CHUNK, CHUNK)])
            return 0
        lax.fori_loop(0, ROWS_PER_TILE // CHUNK, zero_copy, 0)
        plsc.subcore_barrier()

    def gather(j, buf, sem):
        return pltpu.async_copy(h_hbm.at[idx_s.at[j]], buf, sem)

    def scatter(j, buf, sem):
        return pltpu.async_copy(buf, aggr_sh.at[idx_d.at[j]], sem, add=True)

    def wait_gather(buf, sem):
        pltpu.make_async_copy(h_hbm.at[idx_s.at[0]], buf, sem).wait()

    def wait_scatter(buf, sem):
        pltpu.make_async_copy(buf, aggr_sh.at[idx_d.at[0]], sem).wait()

    wbase = s * K0
    nphases = jnp.where(c == 0, K0 // LP, 0)

    def phase(p, _):
        base = wbase + p * LP
        pltpu.sync_copy(src_hbm.at[pl.ds(base, LP)], idx_s)
        pltpu.sync_copy(dst_hbm.at[pl.ds(base, LP)], idx_d)

        gather(0, rows, gsa).wait()
        gather(1, rows2, gsb)
        scatter(0, rows, ssa)

        def step(t, _):
            wait_gather(rows2, gsb)
            wait_scatter(rows, ssa)
            gather(2 * t, rows, gsa)
            scatter(2 * t - 1, rows2, ssb)
            wait_gather(rows, gsa)
            wait_scatter(rows2, ssb)
            gather(2 * t + 1, rows2, gsb)
            scatter(2 * t, rows, ssa)
            return 0
        lax.fori_loop(1, LP // 2, step, 0)
        wait_gather(rows2, gsb)
        wait_scatter(rows, ssa)
        scatter(LP - 1, rows2, ssb).wait()
        return 0

    with jax.named_scope("agg_edges"):
        lax.fori_loop(0, nphases, phase, 0)

        @pl.when(c == 1)
        def _():
            def spin(i, acc):
                return acc * 1.0000001 + 1.0
            spin_v[...] = lax.fori_loop(0, SPIN, spin,
                                        jnp.zeros((16,), jnp.float32))
        plsc.subcore_barrier()

    with jax.named_scope("agg_writeback"):
        pltpu.sync_copy(aggr_sh.at[pl.ds(s * ROWS_PER_TILE, ROWS_PER_TILE)],
                        out_hbm.at[pl.ds(c * R + s * ROWS_PER_TILE,
                                         ROWS_PER_TILE)])


_SC_CACHE = {}


def _sc_aggregate(src2d, dst2d, h):
    if "fn" not in _SC_CACHE:
        _SC_CACHE["fn"] = pl.kernel(
            _sc_aggregate_body,
            out_type=jax.ShapeDtypeStruct((2 * R, D), jnp.float32),
            mesh=plsc.VectorSubcoreMesh(core_axis_name="c",
                                        subcore_axis_name="s",
                                        num_cores=NC, num_subcores=NS),
            scratch_types=[
                pltpu.VMEM((LP, CHUNK), jnp.int32),
                pltpu.VMEM((LP, CHUNK), jnp.int32),
                pltpu.VMEM((CHUNK, D), jnp.float32),
                pltpu.VMEM((CHUNK, D), jnp.float32),
                pltpu.VMEM((16,), jnp.float32),
                pltpu.VMEM_SHARED((R, D), jnp.float32),
                pltpu.SemaphoreType.DMA,
                pltpu.SemaphoreType.DMA,
                pltpu.SemaphoreType.DMA,
                pltpu.SemaphoreType.DMA,
            ],
        )
    return _SC_CACHE["fn"](src2d, dst2d, h)



BM = 1000
NB = N // BM


def _mm_stats_body(a0_ref, a1_ref, h_ref, wrel_ref, brel_ref, wroot_ref,
                   y_ref, st_ref):
    a = a0_ref[...] + a1_ref[...]
    h = h_ref[...]
    y = lax.dot_general(a, wrel_ref[...], (((1,), (1,)), ((), ())),
                        preferred_element_type=jnp.float32)
    y = y + lax.dot_general(h, wroot_ref[...], (((1,), (1,)), ((), ())),
                            preferred_element_type=jnp.float32)
    y = y + brel_ref[...]
    y_ref[...] = y
    s1 = jnp.sum(y)
    s2 = jnp.sum(y * y)
    col = lax.broadcasted_iota(jnp.int32, (8, 128), 1)
    st_ref[...] = jnp.where(col == 0, s1, jnp.where(col == 1, s2, 0.0))


def _norm_body(y_ref, st_ref, g_ref, b_ref, o_ref):
    st = st_ref[...]
    tot1 = jnp.sum(st[:, 0:1]) / 8.0
    tot2 = jnp.sum(st[:, 1:2]) / 8.0
    mean = tot1 / (N * D)
    var = tot2 / (N * D) - mean * mean
    inv = lax.rsqrt(var + EPS)
    g = g_ref[0, 0]
    b = b_ref[0, 0]
    o_ref[...] = jnp.maximum((y_ref[...] - mean) * (inv * g) + b, 0.0)


def _tc_layer(a0, a1, h, W_rel, b_rel, W_root, gamma, beta):
    full = lambda shp: pl.BlockSpec(shp, lambda i: (0,) * len(shp))
    rows = pl.BlockSpec((BM, D), lambda i: (i, 0))
    y, st = pl.pallas_call(
        _mm_stats_body,
        grid=(NB,),
        in_specs=[rows, rows, rows, full((D, D)), full((1, D)), full((D, D))],
        out_specs=[rows, pl.BlockSpec((8, 128), lambda i: (i, 0))],
        out_shape=[jax.ShapeDtypeStruct((N, D), jnp.float32),
                   jax.ShapeDtypeStruct((NB * 8, 128), jnp.float32)],
    )(a0, a1, h, W_rel, b_rel.reshape(1, D), W_root)
    out = pl.pallas_call(
        _norm_body,
        grid=(NB,),
        in_specs=[rows, full((NB * 8, 128)), full((1, 1)), full((1, 1))],
        out_specs=rows,
        out_shape=jax.ShapeDtypeStruct((N, D), jnp.float32),
    )(y, st, gamma.reshape(1, 1), beta.reshape(1, 1))
    return out



def kernel(x, edge_index, W_rel0, b_rel0, W_root0, gamma0, beta0,
           W_rel1, b_rel1, W_root1, gamma1, beta1):
    pad = E_PAD - E
    src = jnp.concatenate([edge_index[0], jnp.zeros((pad,), jnp.int32)])
    dst = jnp.concatenate(
        [edge_index[1], N + (jnp.arange(pad, dtype=jnp.int32) % (R - N))])
    src2d = src.reshape(CH_TOT, CHUNK)
    dst2d = dst.reshape(CH_TOT, CHUNK)

    def layer(h, W_rel, b_rel, W_root, gamma, beta):
        agg = _sc_aggregate(src2d, dst2d, h)
        return _tc_layer(agg[0:N], agg[R:R + N], h,
                         W_rel, b_rel, W_root, gamma, beta)

    h = layer(x, W_rel0, b_rel0, W_root0, gamma0, beta0)
    h = layer(h, W_rel1, b_rel1, W_root1, gamma1, beta1)
    return h

# --- scband reference (transcript-rebuilt; emitter-appended) ---
"""Pipeline reference for scband-graph-conv-block-15925738734396 (READ-ONLY COPY).

The authoritative reference and input builder live on the scoring server;
editing this copy changes nothing except your own understanding.
"""

import jax, jax.numpy as jnp
import numpy as np

N = 10000
E = 320000
D = 128
DEPTH = 2
EPS = 1e-3

def setup_inputs(seed: int = 0) -> dict:
    key = jax.random.key(seed)
    ks = jax.random.split(key, 4 + 6 * DEPTH)
    inp = {}
    inp["x"] = jax.random.normal(ks[0], (N, D), dtype=jnp.float32)
    inp["edge_index"] = jax.random.randint(ks[1], (2, E), 0, N, dtype=jnp.int32)
    scale = 1.0 / np.sqrt(D)
    for i in range(DEPTH):
        inp[f"W_rel{i}"] = jax.random.normal(ks[2 + 6 * i], (D, D), dtype=jnp.float32) * scale
        inp[f"b_rel{i}"] = jnp.zeros((D,), dtype=jnp.float32)
        inp[f"W_root{i}"] = jax.random.normal(ks[3 + 6 * i], (D, D), dtype=jnp.float32) * scale
        inp[f"gamma{i}"] = jnp.ones((1,), dtype=jnp.float32)
        inp[f"beta{i}"] = jnp.zeros((1,), dtype=jnp.float32)
    return inp

def _layer(h, src, dst, W_rel, b_rel, W_root, gamma, beta):
    # GraphConv: out = lin_rel(sum_{j in N(i)} x_j) + lin_root(x_i)
    aggr = jnp.zeros((h.shape[0], h.shape[1]), dtype=h.dtype).at[dst].add(h[src])
    h = aggr @ W_rel.T + b_rel + h @ W_root.T
    # InstanceNorm2d(1, affine=True, eps=1e-3) on [1,1,N,D]: normalize over all N*D elements
    mean = jnp.mean(h)
    var = jnp.mean((h - mean) ** 2)
    h = (h - mean) / jnp.sqrt(var + EPS) * gamma[0] + beta[0]
    return jax.nn.relu(h)

def reference(x, edge_index, W_rel0, b_rel0, W_root0, gamma0, beta0, W_rel1, b_rel1, W_root1, gamma1, beta1):
    src = edge_index[0]
    dst = edge_index[1]
    h = _layer(x, src, dst, W_rel0, b_rel0, W_root0, gamma0, beta0)
    h = _layer(h, src, dst, W_rel1, b_rel1, W_root1, gamma1, beta1)
    return h

if __name__ == "__main__":
    import jax
    _d = setup_inputs()
    print(jax.jit(kernel)(*tuple(_d.values())))

</pallas_src>

<mosaic_0001>
#map = affine_map<(d0, d1) -> (0, 0)>
module attributes {stable_mosaic.version = 14 : i64} {
  func.func @_sc_aggregate_body(%arg0: i32, %arg1: i32, %arg2: memref<2560x128xi32, #tpu.memory_space<hbm>>, %arg3: memref<2560x128xi32, #tpu.memory_space<hbm>>, %arg4: memref<10000x128xf32, #tpu.memory_space<hbm>>, %arg5: memref<20480x128xf32, #tpu.memory_space<hbm>>, %arg6: memref<40x128xi32, #tpu.memory_space<vmem>>, %arg7: memref<40x128xi32, #tpu.memory_space<vmem>>, %arg8: memref<128x128xf32, #tpu.memory_space<vmem>>, %arg9: memref<128x128xf32, #tpu.memory_space<vmem>>, %arg10: memref<16xf32, #tpu.memory_space<vmem>>, %arg11: memref<10240x128xf32, #tpu.memory_space<vmem_shared>>, %arg12: memref<!tpu.dma_semaphore, #tpu.memory_space<semaphore_mem>>, %arg13: memref<!tpu.dma_semaphore, #tpu.memory_space<semaphore_mem>>, %arg14: memref<!tpu.dma_semaphore, #tpu.memory_space<semaphore_mem>>, %arg15: memref<!tpu.dma_semaphore, #tpu.memory_space<semaphore_mem>>) attributes {dimension_semantics = [#tpu.dimension_semantics<core_parallel>, #tpu.dimension_semantics<subcore_parallel>], iteration_bounds = array<i64: 2, 16>, scalar_prefetch = 0 : i64, scratch_operands = 10 : i64, tpu.core_type = #tpu.core_type<sc_vector_subcore>, window_params = [{transform_indices = #map}, {transform_indices = #map}, {transform_indices = #map}, {transform_indices = #map}]} {
    "tpu.trace_start"() <{level = 10 : i32, message = "agg_zero"}> : () -> ()
    %scan3A = arith.constant 0 : i32
    %scan3A_0 = arith.constant 0 : i32
    %scan3A_1 = arith.constant 128 : i32
    %scan3A_2 = arith.addi %scan3A_0, %scan3A_1 : i32
    %scan3A_3 = arith.constant 1 : i32
    %scan3A_4 = scf.for %scan3A_37 = %scan3A_0 to %scan3A_2 step %scan3A_3 iter_args(%scan3A_38 = %scan3A) -> (i32)  : i32 {
      %broadcast_in_dim3A = arith.constant 0.000000e+00 : f32
      %broadcast_in_dim3A_39 = vector.broadcast %broadcast_in_dim3A : f32 to vector<16xf32>
      %swap3A = arith.index_cast %scan3A_37 : i32 to index
      %swap3A_40 = arith.constant 0 : index
      %swap3A_41 = tpu.vector_load %arg8[%swap3A, %swap3A_40] {strides = array<i32>} : memref<128x128xf32, #tpu.memory_space<vmem>>, vector<1x16xf32>,
      %swap3A_42 = vector.shape_cast %swap3A_41 : vector<1x16xf32> to vector<16xf32>
      %swap3A_43 = vector.shape_cast %broadcast_in_dim3A_39 : vector<16xf32> to vector<1x16xf32>
      tpu.vector_store %arg8[%swap3A, %swap3A_40], %swap3A_43 {strides = array<i32>} : memref<128x128xf32, #tpu.memory_space<vmem>>, vector<1x16xf32>,
      %broadcast_in_dim3A_44 = arith.constant 0.000000e+00 : f32
      %broadcast_in_dim3A_45 = vector.broadcast %broadcast_in_dim3A_44 : f32 to vector<16xf32>
      %swap3A_46 = arith.index_cast %scan3A_37 : i32 to index
      %swap3A_47 = arith.constant 16 : index
      %swap3A_48 = tpu.vector_load %arg8[%swap3A_46, %swap3A_47] {strides = array<i32>} : memref<128x128xf32, #tpu.memory_space<vmem>>, vector<1x16xf32>,
      %swap3A_49 = vector.shape_cast %swap3A_48 : vector<1x16xf32> to vector<16xf32>
      %swap3A_50 = vector.shape_cast %broadcast_in_dim3A_45 : vector<16xf32> to vector<1x16xf32>
      tpu.vector_store %arg8[%swap3A_46, %swap3A_47], %swap3A_50 {strides = array<i32>} : memref<128x128xf32, #tpu.memory_space<vmem>>, vector<1x16xf32>,
      %broadcast_in_dim3A_51 = arith.constant 0.000000e+00 : f32
      %broadcast_in_dim3A_52 = vector.broadcast %broadcast_in_dim3A_51 : f32 to vector<16xf32>
      %swap3A_53 = arith.index_cast %scan3A_37 : i32 to index
      %swap3A_54 = arith.constant 32 : index
      %swap3A_55 = tpu.vector_load %arg8[%swap3A_53, %swap3A_54] {strides = array<i32>} : memref<128x128xf32, #tpu.memory_space<vmem>>, vector<1x16xf32>,
      %swap3A_56 = vector.shape_cast %swap3A_55 : vector<1x16xf32> to vector<16xf32>
      %swap3A_57 = vector.shape_cast %broadcast_in_dim3A_52 : vector<16xf32> to vector<1x16xf32>
      tpu.vector_store %arg8[%swap3A_53, %swap3A_54], %swap3A_57 {strides = array<i32>} : memref<128x128xf32, #tpu.memory_space<vmem>>, vector<1x16xf32>,
      %broadcast_in_dim3A_58 = arith.constant 0.000000e+00 : f32
      %broadcast_in_dim3A_59 = vector.broadcast %broadcast_in_dim3A_58 : f32 to vector<16xf32>
      %swap3A_60 = arith.index_cast %scan3A_37 : i32 to index
      %swap3A_61 = arith.constant 48 : index
      %swap3A_62 = tpu.vector_load %arg8[%swap3A_60, %swap3A_61] {strides = array<i32>} : memref<128x128xf32, #tpu.memory_space<vmem>>, vector<1x16xf32>,
      %swap3A_63 = vector.shape_cast %swap3A_62 : vector<1x16xf32> to vector<16xf32>
      %swap3A_64 = vector.shape_cast %broadcast_in_dim3A_59 : vector<16xf32> to vector<1x16xf32>
      tpu.vector_store %arg8[%swap3A_60, %swap3A_61], %swap3A_64 {strides = array<i32>} : memref<128x128xf32, #tpu.memory_space<vmem>>, vector<1x16xf32>,
      %broadcast_in_dim3A_65 = arith.constant 0.000000e+00 : f32
      %broadcast_in_dim3A_66 = vector.broadcast %broadcast_in_dim3A_65 : f32 to vector<16xf32>
      %swap3A_67 = arith.index_cast %scan3A_37 : i32 to index
      %swap3A_68 = arith.constant 64 : index
      %swap3A_69 = tpu.vector_load %arg8[%swap3A_67, %swap3A_68] {strides = array<i32>} : memref<128x128xf32, #tpu.memory_space<vmem>>, vector<1x16xf32>,
      %swap3A_70 = vector.shape_cast %swap3A_69 : vector<1x16xf32> to vector<16xf32>
      %swap3A_71 = vector.shape_cast %broadcast_in_dim3A_66 : vector<16xf32> to vector<1x16xf32>
      tpu.vector_store %arg8[%swap3A_67, %swap3A_68], %swap3A_71 {strides = array<i32>} : memref<128x128xf32, #tpu.memory_space<vmem>>, vector<1x16xf32>,
      %broadcast_in_dim3A_72 = arith.constant 0.000000e+00 : f32
      %broadcast_in_dim3A_73 = vector.broadcast %broadcast_in_dim3A_72 : f32 to vector<16xf32>
      %swap3A_74 = arith.index_cast %scan3A_37 : i32 to index
      %swap3A_75 = arith.constant 80 : index
      %swap3A_76 = tpu.vector_load %arg8[%swap3A_74, %swap3A_75] {strides = array<i32>} : memref<128x128xf32, #tpu.memory_space<vmem>>, vector<1x16xf32>,
      %swap3A_77 = vector.shape_cast %swap3A_76 : vector<1x16xf32> to vector<16xf32>
      %swap3A_78 = vector.shape_cast %broadcast_in_dim3A_73 : vector<16xf32> to vector<1x16xf32>
      tpu.vector_store %arg8[%swap3A_74, %swap3A_75], %swap3A_78 {strides = array<i32>} : memref<128x128xf32, #tpu.memory_space<vmem>>, vector<1x16xf32>,
      %broadcast_in_dim3A_79 = arith.constant 0.000000e+00 : f32
      %broadcast_in_dim3A_80 = vector.broadcast %broadcast_in_dim3A_79 : f32 to vector<16xf32>
      %swap3A_81 = arith.index_cast %scan3A_37 : i32 to index
      %swap3A_82 = arith.constant 96 : index
      %swap3A_83 = tpu.vector_load %arg8[%swap3A_81, %swap3A_82] {strides = array<i32>} : memref<128x128xf32, #tpu.memory_space<vmem>>, vector<1x16xf32>,
      %swap3A_84 = vector.shape_cast %swap3A_83 : vector<1x16xf32> to vector<16xf32>
      %swap3A_85 = vector.shape_cast %broadcast_in_dim3A_80 : vector<16xf32> to vector<1x16xf32>
      tpu.vector_store %arg8[%swap3A_81, %swap3A_82], %swap3A_85 {strides = array<i32>} : memref<128x128xf32, #tpu.memory_space<vmem>>, vector<1x16xf32>,
      %broadcast_in_dim3A_86 = arith.constant 0.000000e+00 : f32
      %broadcast_in_dim3A_87 = vector.broadcast %broadcast_in_dim3A_86 : f32 to vector<16xf32>
      %swap3A_88 = arith.index_cast %scan3A_37 : i32 to index
      %swap3A_89 = arith.constant 112 : index
      %swap3A_90 = tpu.vector_load %arg8[%swap3A_88, %swap3A_89] {strides = array<i32>} : memref<128x128xf32, #tpu.memory_space<vmem>>, vector<1x16xf32>,
      %swap3A_91 = vector.shape_cast %swap3A_90 : vector<1x16xf32> to vector<16xf32>
      %swap3A_92 = vector.shape_cast %broadcast_in_dim3A_87 : vector<16xf32> to vector<1x16xf32>
      tpu.vector_store %arg8[%swap3A_88, %swap3A_89], %swap3A_92 {strides = array<i32>} : memref<128x128xf32, #tpu.memory_space<vmem>>, vector<1x16xf32>,
      %scan3A_93 = arith.constant 0 : i32
      scf.yield %scan3A_93 : i32
    }
    %scan3A_5 = arith.constant 128 : i32
    %scan3A_6 = arith.constant 0 : i32
    %scan3A_7 = arith.constant 0 : i32
    %scan3A_8 = arith.constant 5 : i32
    %scan3A_9 = arith.addi %scan3A_7, %scan3A_8 : i32
    %scan3A_10 = arith.constant 1 : i32
    %scan3A_11 = scf.for %scan3A_37 = %scan3A_7 to %scan3A_9 step %scan3A_10 iter_args(%scan3A_38 = %scan3A_6) -> (i32)  : i32 {
      %mul3A_39 = arith.constant 640 : i32
      %mul3A_40 = arith.muli %arg1, %mul3A_39 : i32
      %mul3A_41 = arith.constant 128 : i32
      %mul3A_42 = arith.muli %scan3A_37, %mul3A_41 : i32
      %add3A_43 = arith.addi %mul3A_40, %mul3A_42 : i32
      "tpu.region"() ({
        %run_scoped3A = tpu.sem_alloc : memref<!tpu.dma_semaphore, #tpu.memory_space<semaphore_mem>>
        %dma_start3A = arith.constant 0 : i32
        %dma_start3A_45 = tpu.memref_slice %arg11[%add3A_43, %dma_start3A] : memref<10240x128xf32, #tpu.memory_space<vmem_shared>> -> memref<128x128xf32, #tpu.memory_space<vmem_shared>>
        %dma_start3A_46 = arith.constant 0 : i32
        %dma_start3A_47 = tpu.memref_slice %arg11[%add3A_43, %dma_start3A_46] : memref<10240x128xf32, #tpu.memory_space<vmem_shared>> -> memref<128x128xf32, #tpu.memory_space<vmem_shared>>
        tpu.enqueue_dma source(%arg8 : memref<128x128xf32, #tpu.memory_space<vmem>>) target(%dma_start3A_47 : memref<128x128xf32, #tpu.memory_space<vmem_shared>>) target_semaphore(%run_scoped3A : memref<!tpu.dma_semaphore, #tpu.memory_space<semaphore_mem>>)
        %dma_wait3A = arith.constant 0 : i32
        %dma_wait3A_48 = tpu.memref_slice %arg11[%add3A_43, %dma_wait3A] : memref<10240x128xf32, #tpu.memory_space<vmem_shared>> -> memref<128x128xf32, #tpu.memory_space<vmem_shared>>
        %dma_wait3A_49 = arith.constant 0 : i32
        %dma_wait3A_50 = tpu.memref_slice %arg11[%add3A_43, %dma_wait3A_49] : memref<10240x128xf32, #tpu.memory_space<vmem_shared>> -> memref<128x128xf32, #tpu.memory_space<vmem_shared>>
        tpu.wait_dma2 semaphore(%run_scoped3A : memref<!tpu.dma_semaphore, #tpu.memory_space<semaphore_mem>>) src(%arg8 : memref<128x128xf32, #tpu.memory_space<vmem>>) dst(%dma_wait3A_50 : memref<128x128xf32, #tpu.memory_space<vmem_shared>>)
        tpu.yield
      }) : () -> ()
      %scan3A_44 = arith.constant 0 : i32
      scf.yield %scan3A_44 : i32
    }
    %scan3A_12 = arith.constant 5 : i32
    %barrier3A = arith.constant 0 : index
    tpu.barrier barrier_id(%barrier3A)
    "tpu.trace_stop"() : () -> ()
    %mul3A = arith.constant 160 : i32
    %mul3A_13 = arith.muli %arg1, %mul3A : i32
    %eq3A = arith.constant 0 : i32
    %eq3A_14 = arith.cmpi eq, %arg0, %eq3A : i32
    %jit3A = arith.constant 4 : i32
    %jit3A_15 = arith.constant 0 : i32
    %select_n3A = arith.select %eq3A_14, %jit3A, %jit3A_15 : i32
    %while3A = arith.constant 0 : i32
    %while3A_16 = arith.constant 0 : i32
    "tpu.trace_start"() <{level = 10 : i32, message = "agg_edges"}> : () -> ()
    %while3A_17 = arith.subi %select_n3A, %while3A : i32
    %while3A_18 = arith.addi %while3A, %while3A_17 : i32
    %while3A_19 = arith.constant 1 : i32
    %while3A_20 = arith.divsi %while3A_17, %while3A_19 : i32
    %while3A_21 = arith.muli %while3A_20, %while3A_19 : i32
    %while3A_22 = arith.addi %while3A, %while3A_21 : i32
    %while3A_23 = arith.constant 1 : i32
    %while3A_24 = scf.for %while3A_37 = %while3A to %while3A_22 step %while3A_23 iter_args(%while3A_38 = %while3A_16) -> (i32)  : i32 {
      %mul3A_39 = arith.constant 40 : i32
      %mul3A_40 = arith.muli %while3A_37, %mul3A_39 : i32
      %add3A_41 = arith.addi %mul3A_13, %mul3A_40 : i32
      "tpu.region"() ({
        %run_scoped3A = tpu.sem_alloc : memref<!tpu.dma_semaphore, #tpu.memory_space<semaphore_mem>>
        %dma_start3A_104 = arith.constant 0 : i32
        %dma_start3A_105 = tpu.memref_slice %arg2[%add3A_41, %dma_start3A_104] : memref<2560x128xi32, #tpu.memory_space<hbm>> -> memref<40x128xi32, #tpu.memory_space<hbm>>
        %dma_start3A_106 = arith.constant 0 : i32
        %dma_start3A_107 = tpu.memref_slice %arg2[%add3A_41, %dma_start3A_106] : memref<2560x128xi32, #tpu.memory_space<hbm>> -> memref<40x128xi32, #tpu.memory_space<hbm>>
        tpu.enqueue_dma source(%dma_start3A_107 : memref<40x128xi32, #tpu.memory_space<hbm>>) target(%arg6 : memref<40x128xi32, #tpu.memory_space<vmem>>) target_semaphore(%run_scoped3A : memref<!tpu.dma_semaphore, #tpu.memory_space<semaphore_mem>>)
        %dma_wait3A_108 = arith.constant 0 : i32
        %dma_wait3A_109 = tpu.memref_slice %arg2[%add3A_41, %dma_wait3A_108] : memref<2560x128xi32, #tpu.memory_space<hbm>> -> memref<40x128xi32, #tpu.memory_space<hbm>>
        %dma_wait3A_110 = arith.constant 0 : i32
        %dma_wait3A_111 = tpu.memref_slice %arg2[%add3A_41, %dma_wait3A_110] : memref<2560x128xi32, #tpu.memory_space<hbm>> -> memref<40x128xi32, #tpu.memory_space<hbm>>
        tpu.wait_dma2 semaphore(%run_scoped3A : memref<!tpu.dma_semaphore, #tpu.memory_space<semaphore_mem>>) src(%dma_wait3A_111 : memref<40x128xi32, #tpu.memory_space<hbm>>) dst(%arg6 : memref<40x128xi32, #tpu.memory_space<vmem>>)
        tpu.yield
      }) : () -> ()
      "tpu.region"() ({
        %run_scoped3A = tpu.sem_alloc : memref<!tpu.dma_semaphore, #tpu.memory_space<semaphore_mem>>
        %dma_start3A_104 = arith.constant 0 : i32
        %dma_start3A_105 = tpu.memref_slice %arg3[%add3A_41, %dma_start3A_104] : memref<2560x128xi32, #tpu.memory_space<hbm>> -> memref<40x128xi32, #tpu.memory_space<hbm>>
        %dma_start3A_106 = arith.constant 0 : i32
        %dma_start3A_107 = tpu.memref_slice %arg3[%add3A_41, %dma_start3A_106] : memref<2560x128xi32, #tpu.memory_space<hbm>> -> memref<40x128xi32, #tpu.memory_space<hbm>>
        tpu.enqueue_dma source(%dma_start3A_107 : memref<40x128xi32, #tpu.memory_space<hbm>>) target(%arg7 : memref<40x128xi32, #tpu.memory_space<vmem>>) target_semaphore(%run_scoped3A : memref<!tpu.dma_semaphore, #tpu.memory_space<semaphore_mem>>)
        %dma_wait3A_108 = arith.constant 0 : i32
        %dma_wait3A_109 = tpu.memref_slice %arg3[%add3A_41, %dma_wait3A_108] : memref<2560x128xi32, #tpu.memory_space<hbm>> -> memref<40x128xi32, #tpu.memory_space<hbm>>
        %dma_wait3A_110 = arith.constant 0 : i32
        %dma_wait3A_111 = tpu.memref_slice %arg3[%add3A_41, %dma_wait3A_110] : memref<2560x128xi32, #tpu.memory_space<hbm>> -> memref<40x128xi32, #tpu.memory_space<hbm>>
        tpu.wait_dma2 semaphore(%run_scoped3A : memref<!tpu.dma_semaphore, #tpu.memory_space<semaphore_mem>>) src(%dma_wait3A_111 : memref<40x128xi32, #tpu.memory_space<hbm>>) dst(%arg7 : memref<40x128xi32, #tpu.memory_space<vmem>>)
        tpu.yield
      }) : () -> ()
      %dma_start3A = arith.constant 0 : i32
      %dma_start3A_42 = arith.constant 0 : i32
      %dma_start3A_43 = tpu.memref_slice %arg6[%dma_start3A, %dma_start3A_42] : memref<40x128xi32, #tpu.memory_space<vmem>> -> memref<1x128xi32, #tpu.memory_space<vmem>>
      %dma_start3A_44 = tpu.memref_squeeze %dma_start3A_43 : memref<1x128xi32, #tpu.memory_space<vmem>> -> memref<128xi32, #tpu.memory_space<vmem>>
      %dma_start3A_45 = arith.constant 0 : i32
      %dma_start3A_46 = arith.constant 0 : i32
      %dma_start3A_47 = tpu.memref_slice %arg4[%dma_start3A_45, %dma_start3A_46] : memref<10000x128xf32, #tpu.memory_space<hbm>> -> memref<10000x128xf32, #tpu.memory_space<hbm>>
      tpu.enqueue_indirect_dma source(%dma_start3A_47 : memref<10000x128xf32, #tpu.memory_space<hbm>>) target(%arg8 : memref<128x128xf32, #tpu.memory_space<vmem>>) offsets(%dma_start3A_44 : memref<128xi32, #tpu.memory_space<vmem>>) semaphore(%arg12 : memref<!tpu.dma_semaphore, #tpu.memory_space<semaphore_mem>>)
      %dma_wait3A = arith.constant 0 : i32
      %dma_wait3A_48 = arith.constant 0 : i32
      %dma_wait3A_49 = tpu.memref_slice %arg6[%dma_wait3A, %dma_wait3A_48] : memref<40x128xi32, #tpu.memory_space<vmem>> -> memref<1x128xi32, #tpu.memory_space<vmem>>
      %dma_wait3A_50 = tpu.memref_squeeze %dma_wait3A_49 : memref<1x128xi32, #tpu.memory_space<vmem>> -> memref<128xi32, #tpu.memory_space<vmem>>
      %dma_wait3A_51 = arith.constant 0 : i32
      %dma_wait3A_52 = arith.constant 0 : i32
      %dma_wait3A_53 = tpu.memref_slice %arg4[%dma_wait3A_51, %dma_wait3A_52] : memref<10000x128xf32, #tpu.memory_space<hbm>> -> memref<10000x128xf32, #tpu.memory_space<hbm>>
      tpu.wait_indirect_dma semaphore(%arg12 : memref<!tpu.dma_semaphore, #tpu.memory_space<semaphore_mem>>) src(%dma_wait3A_53 : memref<10000x128xf32, #tpu.memory_space<hbm>>) dst(%arg8 : memref<128x128xf32, #tpu.memory_space<vmem>>)
      %dma_start3A_54 = arith.constant 1 : i32
      %dma_start3A_55 = arith.constant 0 : i32
      %dma_start3A_56 = tpu.memref_slice %arg6[%dma_start3A_54, %dma_start3A_55] : memref<40x128xi32, #tpu.memory_space<vmem>> -> memref<1x128xi32, #tpu.memory_space<vmem>>
      %dma_start3A_57 = tpu.memref_squeeze %dma_start3A_56 : memref<1x128xi32, #tpu.memory_space<vmem>> -> memref<128xi32, #tpu.memory_space<vmem>>
      %dma_start3A_58 = arith.constant 0 : i32
      %dma_start3A_59 = arith.constant 0 : i32
      %dma_start3A_60 = tpu.memref_slice %arg4[%dma_start3A_58, %dma_start3A_59] : memref<10000x128xf32, #tpu.memory_space<hbm>> -> memref<10000x128xf32, #tpu.memory_space<hbm>>
      tpu.enqueue_indirect_dma source(%dma_start3A_60 : memref<10000x128xf32, #tpu.memory_space<hbm>>) target(%arg9 : memref<128x128xf32, #tpu.memory_space<vmem>>) offsets(%dma_start3A_57 : memref<128xi32, #tpu.memory_space<vmem>>) semaphore(%arg13 : memref<!tpu.dma_semaphore, #tpu.memory_space<semaphore_mem>>)
      %dma_start3A_61 = arith.constant 0 : i32
      %dma_start3A_62 = arith.constant 0 : i32
      %dma_start3A_63 = tpu.memref_slice %arg7[%dma_start3A_61, %dma_start3A_62] : memref<40x128xi32, #tpu.memory_space<vmem>> -> memref<1x128xi32, #tpu.memory_space<vmem>>
      %dma_start3A_64 = tpu.memref_squeeze %dma_start3A_63 : memref<1x128xi32, #tpu.memory_space<vmem>> -> memref<128xi32, #tpu.memory_space<vmem>>
      %dma_start3A_65 = arith.constant 0 : i32
      %dma_start3A_66 = arith.constant 0 : i32
      %dma_start3A_67 = tpu.memref_slice %arg11[%dma_start3A_65, %dma_start3A_66] : memref<10240x128xf32, #tpu.memory_space<vmem_shared>> -> memref<10240x128xf32, #tpu.memory_space<vmem_shared>>
      tpu.enqueue_indirect_dma source(%arg8 : memref<128x128xf32, #tpu.memory_space<vmem>>) target(%dma_start3A_67 : memref<10240x128xf32, #tpu.memory_space<vmem_shared>>) offsets(%dma_start3A_64 : memref<128xi32, #tpu.memory_space<vmem>>) semaphore(%arg14 : memref<!tpu.dma_semaphore, #tpu.memory_space<semaphore_mem>>) {add = true}
      %scan3A_68 = arith.constant 0 : i32
      %scan3A_69 = arith.constant 1 : i32
      %scan3A_70 = arith.constant 19 : i32
      %scan3A_71 = arith.addi %scan3A_69, %scan3A_70 : i32
      %scan3A_72 = arith.constant 1 : i32
      %scan3A_73 = scf.for %scan3A_104 = %scan3A_69 to %scan3A_71 step %scan3A_72 iter_args(%scan3A_105 = %scan3A_68) -> (i32)  : i32 {
        %dma_wait3A_106 = arith.constant 0 : i32
        %dma_wait3A_107 = arith.constant 0 : i32
        %dma_wait3A_108 = tpu.memref_slice %arg6[%dma_wait3A_106, %dma_wait3A_107] : memref<40x128xi32, #tpu.memory_space<vmem>> -> memref<1x128xi32, #tpu.memory_space<vmem>>
        %dma_wait3A_109 = tpu.memref_squeeze %dma_wait3A_108 : memref<1x128xi32, #tpu.memory_space<vmem>> -> memref<128xi32, #tpu.memory_space<vmem>>
        %dma_wait3A_110 = arith.constant 0 : i32
        %dma_wait3A_111 = arith.constant 0 : i32
        %dma_wait3A_112 = tpu.memref_slice %arg4[%dma_wait3A_110, %dma_wait3A_111] : memref<10000x128xf32, #tpu.memory_space<hbm>> -> memref<10000x128xf32, #tpu.memory_space<hbm>>
        tpu.wait_indirect_dma semaphore(%arg13 : memref<!tpu.dma_semaphore, #tpu.memory_space<semaphore_mem>>) src(%dma_wait3A_112 : memref<10000x128xf32, #tpu.memory_space<hbm>>) dst(%arg9 : memref<128x128xf32, #tpu.memory_space<vmem>>)
        %dma_wait3A_113 = arith.constant 0 : i32
        %dma_wait3A_114 = arith.constant 0 : i32
        %dma_wait3A_115 = tpu.memref_slice %arg7[%dma_wait3A_113, %dma_wait3A_114] : memref<40x128xi32, #tpu.memory_space<vmem>> -> memref<1x128xi32, #tpu.memory_space<vmem>>
        %dma_wait3A_116 = tpu.memref_squeeze %dma_wait3A_115 : memref<1x128xi32, #tpu.memory_space<vmem>> -> memref<128xi32, #tpu.memory_space<vmem>>
        %dma_wait3A_117 = arith.constant 0 : i32
        %dma_wait3A_118 = arith.constant 0 : i32
        %dma_wait3A_119 = tpu.memref_slice %arg11[%dma_wait3A_117, %dma_wait3A_118] : memref<10240x128xf32, #tpu.memory_space<vmem_shared>> -> memref<10240x128xf32, #tpu.memory_space<vmem_shared>>
        tpu.wait_indirect_dma semaphore(%arg14 : memref<!tpu.dma_semaphore, #tpu.memory_space<semaphore_mem>>) src(%arg8 : memref<128x128xf32, #tpu.memory_space<vmem>>) dst(%dma_wait3A_119 : memref<10240x128xf32, #tpu.memory_space<vmem_shared>>)
        %mul3A_120 = arith.constant 2 : i32
        %mul3A_121 = arith.muli %mul3A_120, %scan3A_104 : i32
        %dma_start3A_122 = arith.constant 0 : i32
        %dma_start3A_123 = tpu.memref_slice %arg6[%mul3A_121, %dma_start3A_122] : memref<40x128xi32, #tpu.memory_space<vmem>> -> memref<1x128xi32, #tpu.memory_space<vmem>>
        %dma_start3A_124 = tpu.memref_squeeze %dma_start3A_123 : memref<1x128xi32, #tpu.memory_space<vmem>> -> memref<128xi32, #tpu.memory_space<vmem>>
        %dma_start3A_125 = arith.constant 0 : i32
        %dma_start3A_126 = arith.constant 0 : i32
        %dma_start3A_127 = tpu.memref_slice %arg4[%dma_start3A_125, %dma_start3A_126] : memref<10000x128xf32, #tpu.memory_space<hbm>> -> memref<10000x128xf32, #tpu.memory_space<hbm>>
        tpu.enqueue_indirect_dma source(%dma_start3A_127 : memref<10000x128xf32, #tpu.memory_space<hbm>>) target(%arg8 : memref<128x128xf32, #tpu.memory_space<vmem>>) offsets(%dma_start3A_124 : memref<128xi32, #tpu.memory_space<vmem>>) semaphore(%arg12 : memref<!tpu.dma_semaphore, #tpu.memory_space<semaphore_mem>>)
        %mul3A_128 = arith.constant 2 : i32
        %mul3A_129 = arith.muli %mul3A_128, %scan3A_104 : i32
        %sub3A = arith.constant 1 : i32
        %sub3A_130 = arith.subi %mul3A_129, %sub3A : i32
        %dma_start3A_131 = arith.constant 0 : i32
        %dma_start3A_132 = tpu.memref_slice %arg7[%sub3A_130, %dma_start3A_131] : memref<40x128xi32, #tpu.memory_space<vmem>> -> memref<1x128xi32, #tpu.memory_space<vmem>>
        %dma_start3A_133 = tpu.memref_squeeze %dma_start3A_132 : memref<1x128xi32, #tpu.memory_space<vmem>> -> memref<128xi32, #tpu.memory_space<vmem>>
        %dma_start3A_134 = arith.constant 0 : i32
        %dma_start3A_135 = arith.constant 0 : i32
        %dma_start3A_136 = tpu.memref_slice %arg11[%dma_start3A_134, %dma_start3A_135] : memref<10240x128xf32, #tpu.memory_space<vmem_shared>> -> memref<10240x128xf32, #tpu.memory_space<vmem_shared>>
        tpu.enqueue_indirect_dma source(%arg9 : memref<128x128xf32, #tpu.memory_space<vmem>>) target(%dma_start3A_136 : memref<10240x128xf32, #tpu.memory_space<vmem_shared>>) offsets(%dma_start3A_133 : memref<128xi32, #tpu.memory_space<vmem>>) semaphore(%arg15 : memref<!tpu.dma_semaphore, #tpu.memory_space<semaphore_mem>>) {add = true}
        %dma_wait3A_137 = arith.constant 0 : i32
        %dma_wait3A_138 = arith.constant 0 : i32
        %dma_wait3A_139 = tpu.memref_slice %arg6[%dma_wait3A_137, %dma_wait3A_138] : memref<40x128xi32, #tpu.memory_space<vmem>> -> memref<1x128xi32, #tpu.memory_space<vmem>>
        %dma_wait3A_140 = tpu.memref_squeeze %dma_wait3A_139 : memref<1x128xi32, #tpu.memory_space<vmem>> -> memref<128xi32, #tpu.memory_space<vmem>>
        %dma_wait3A_141 = arith.constant 0 : i32
        %dma_wait3A_142 = arith.constant 0 : i32
        %dma_wait3A_143 = tpu.memref_slice %arg4[%dma_wait3A_141, %dma_wait3A_142] : memref<10000x128xf32, #tpu.memory_space<hbm>> -> memref<10000x128xf32, #tpu.memory_space<hbm>>
        tpu.wait_indirect_dma semaphore(%arg12 : memref<!tpu.dma_semaphore, #tpu.memory_space<semaphore_mem>>) src(%dma_wait3A_143 : memref<10000x128xf32, #tpu.memory_space<hbm>>) dst(%arg8 : memref<128x128xf32, #tpu.memory_space<vmem>>)
        %dma_wait3A_144 = arith.constant 0 : i32
        %dma_wait3A_145 = arith.constant 0 : i32
        %dma_wait3A_146 = tpu.memref_slice %arg7[%dma_wait3A_144, %dma_wait3A_145] : memref<40x128xi32, #tpu.memory_space<vmem>> -> memref<1x128xi32, #tpu.memory_space<vmem>>
        %dma_wait3A_147 = tpu.memref_squeeze %dma_wait3A_146 : memref<1x128xi32, #tpu.memory_space<vmem>> -> memref<128xi32, #tpu.memory_space<vmem>>
        %dma_wait3A_148 = arith.constant 0 : i32
        %dma_wait3A_149 = arith.constant 0 : i32
        %dma_wait3A_150 = tpu.memref_slice %arg11[%dma_wait3A_148, %dma_wait3A_149] : memref<10240x128xf32, #tpu.memory_space<vmem_shared>> -> memref<10240x128xf32, #tpu.memory_space<vmem_shared>>
        tpu.wait_indirect_dma semaphore(%arg15 : memref<!tpu.dma_semaphore, #tpu.memory_space<semaphore_mem>>) src(%arg9 : memref<128x128xf32, #tpu.memory_space<vmem>>) dst(%dma_wait3A_150 : memref<10240x128xf32, #tpu.memory_space<vmem_shared>>)
        %mul3A_151 = arith.constant 2 : i32
        %mul3A_152 = arith.muli %mul3A_151, %scan3A_104 : i32
        %add3A_153 = arith.constant 1 : i32
        %add3A_154 = arith.addi %mul3A_152, %add3A_153 : i32
        %dma_start3A_155 = arith.constant 0 : i32
        %dma_start3A_156 = tpu.memref_slice %arg6[%add3A_154, %dma_start3A_155] : memref<40x128xi32, #tpu.memory_space<vmem>> -> memref<1x128xi32, #tpu.memory_space<vmem>>
        %dma_start3A_157 = tpu.memref_squeeze %dma_start3A_156 : memref<1x128xi32, #tpu.memory_space<vmem>> -> memref<128xi32, #tpu.memory_space<vmem>>
        %dma_start3A_158 = arith.constant 0 : i32
        %dma_start3A_159 = arith.constant 0 : i32
        %dma_start3A_160 = tpu.memref_slice %arg4[%dma_start3A_158, %dma_start3A_159] : memref<10000x128xf32, #tpu.memory_space<hbm>> -> memref<10000x128xf32, #tpu.memory_space<hbm>>
        tpu.enqueue_indirect_dma source(%dma_start3A_160 : memref<10000x128xf32, #tpu.memory_space<hbm>>) target(%arg9 : memref<128x128xf32, #tpu.memory_space<vmem>>) offsets(%dma_start3A_157 : memref<128xi32, #tpu.memory_space<vmem>>) semaphore(%arg13 : memref<!tpu.dma_semaphore, #tpu.memory_space<semaphore_mem>>)
        %mul3A_161 = arith.constant 2 : i32
        %mul3A_162 = arith.muli %mul3A_161, %scan3A_104 : i32
        %dma_start3A_163 = arith.constant 0 : i32
        %dma_start3A_164 = tpu.memref_slice %arg7[%mul3A_162, %dma_start3A_163] : memref<40x128xi32, #tpu.memory_space<vmem>> -> memref<1x128xi32, #tpu.memory_space<vmem>>
        %dma_start3A_165 = tpu.memref_squeeze %dma_start3A_164 : memref<1x128xi32, #tpu.memory_space<vmem>> -> memref<128xi32, #tpu.memory_space<vmem>>
        %dma_start3A_166 = arith.constant 0 : i32
        %dma_start3A_167 = arith.constant 0 : i32
        %dma_start3A_168 = tpu.memref_slice %arg11[%dma_start3A_166, %dma_start3A_167] : memref<10240x128xf32, #tpu.memory_space<vmem_shared>> -> memref<10240x128xf32, #tpu.memory_space<vmem_shared>>
        tpu.enqueue_indirect_dma source(%arg8 : memref<128x128xf32, #tpu.memory_space<vmem>>) target(%dma_start3A_168 : memref<10240x128xf32, #tpu.memory_space<vmem_shared>>) offsets(%dma_start3A_165 : memref<128xi32, #tpu.memory_space<vmem>>) semaphore(%arg14 : memref<!tpu.dma_semaphore, #tpu.memory_space<semaphore_mem>>) {add = true}
        %scan3A_169 = arith.constant 0 : i32
        scf.yield %scan3A_169 : i32
      }
      %scan3A_74 = arith.constant 19 : i32
      %dma_wait3A_75 = arith.constant 0 : i32
      %dma_wait3A_76 = arith.constant 0 : i32
      %dma_wait3A_77 = tpu.memref_slice %arg6[%dma_wait3A_75, %dma_wait3A_76] : memref<40x128xi32, #tpu.memory_space<vmem>> -> memref<1x128xi32, #tpu.memory_space<vmem>>
      %dma_wait3A_78 = tpu.memref_squeeze %dma_wait3A_77 : memref<1x128xi32, #tpu.memory_space<vmem>> -> memref<128xi32, #tpu.memory_space<vmem>>
      %dma_wait3A_79 = arith.constant 0 : i32
      %dma_wait3A_80 = arith.constant 0 : i32
      %dma_wait3A_81 = tpu.memref_slice %arg4[%dma_wait3A_79, %dma_wait3A_80] : memref<10000x128xf32, #tpu.memory_space<hbm>> -> memref<10000x128xf32, #tpu.memory_space<hbm>>
      tpu.wait_indirect_dma semaphore(%arg13 : memref<!tpu.dma_semaphore, #tpu.memory_space<semaphore_mem>>) src(%dma_wait3A_81 : memref<10000x128xf32, #tpu.memory_space<hbm>>) dst(%arg9 : memref<128x128xf32, #tpu.memory_space<vmem>>)
      %dma_wait3A_82 = arith.constant 0 : i32
      %dma_wait3A_83 = arith.constant 0 : i32
      %dma_wait3A_84 = tpu.memref_slice %arg7[%dma_wait3A_82, %dma_wait3A_83] : memref<40x128xi32, #tpu.memory_space<vmem>> -> memref<1x128xi32, #tpu.memory_space<vmem>>
      %dma_wait3A_85 = tpu.memref_squeeze %dma_wait3A_84 : memref<1x128xi32, #tpu.memory_space<vmem>> -> memref<128xi32, #tpu.memory_space<vmem>>
      %dma_wait3A_86 = arith.constant 0 : i32
      %dma_wait3A_87 = arith.constant 0 : i32
      %dma_wait3A_88 = tpu.memref_slice %arg11[%dma_wait3A_86, %dma_wait3A_87] : memref<10240x128xf32, #tpu.memory_space<vmem_shared>> -> memref<10240x128xf32, #tpu.memory_space<vmem_shared>>
      tpu.wait_indirect_dma semaphore(%arg14 : memref<!tpu.dma_semaphore, #tpu.memory_space<semaphore_mem>>) src(%arg8 : memref<128x128xf32, #tpu.memory_space<vmem>>) dst(%dma_wait3A_88 : memref<10240x128xf32, #tpu.memory_space<vmem_shared>>)
      %dma_start3A_89 = arith.constant 39 : i32
      %dma_start3A_90 = arith.constant 0 : i32
      %dma_start3A_91 = tpu.memref_slice %arg7[%dma_start3A_89, %dma_start3A_90] : memref<40x128xi32, #tpu.memory_space<vmem>> -> memref<1x128xi32, #tpu.memory_space<vmem>>
      %dma_start3A_92 = tpu.memref_squeeze %dma_start3A_91 : memref<1x128xi32, #tpu.memory_space<vmem>> -> memref<128xi32, #tpu.memory_space<vmem>>
      %dma_start3A_93 = arith.constant 0 : i32
      %dma_start3A_94 = arith.constant 0 : i32
      %dma_start3A_95 = tpu.memref_slice %arg11[%dma_start3A_93, %dma_start3A_94] : memref<10240x128xf32, #tpu.memory_space<vmem_shared>> -> memref<10240x128xf32, #tpu.memory_space<vmem_shared>>
      tpu.enqueue_indirect_dma source(%arg9 : memref<128x128xf32, #tpu.memory_space<vmem>>) target(%dma_start3A_95 : memref<10240x128xf32, #tpu.memory_space<vmem_shared>>) offsets(%dma_start3A_92 : memref<128xi32, #tpu.memory_space<vmem>>) semaphore(%arg15 : memref<!tpu.dma_semaphore, #tpu.memory_space<semaphore_mem>>) {add = true}
      %dma_wait3A_96 = arith.constant 39 : i32
      %dma_wait3A_97 = arith.constant 0 : i32
      %dma_wait3A_98 = tpu.memref_slice %arg7[%dma_wait3A_96, %dma_wait3A_97] : memref<40x128xi32, #tpu.memory_space<vmem>> -> memref<1x128xi32, #tpu.memory_space<vmem>>
      %dma_wait3A_99 = tpu.memref_squeeze %dma_wait3A_98 : memref<1x128xi32, #tpu.memory_space<vmem>> -> memref<128xi32, #tpu.memory_space<vmem>>
      %dma_wait3A_100 = arith.constant 0 : i32
      %dma_wait3A_101 = arith.constant 0 : i32
      %dma_wait3A_102 = tpu.memref_slice %arg11[%dma_wait3A_100, %dma_wait3A_101] : memref<10240x128xf32, #tpu.memory_space<vmem_shared>> -> memref<10240x128xf32, #tpu.memory_space<vmem_shared>>
      tpu.wait_indirect_dma semaphore(%arg15 : memref<!tpu.dma_semaphore, #tpu.memory_space<semaphore_mem>>) src(%arg9 : memref<128x128xf32, #tpu.memory_space<vmem>>) dst(%dma_wait3A_102 : memref<10240x128xf32, #tpu.memory_space<vmem_shared>>)
      %while3A_103 = arith.constant 0 : i32
      scf.yield %while3A_103 : i32
    }
    %while3A_25 = arith.constant 1 : i32
    %while3A_26 = scf.for %while3A_37 = %while3A_22 to %while3A_18 step %while3A_25 iter_args(%while3A_38 = %while3A_24) -> (i32)  : i32 {
      %mul3A_39 = arith.constant 40 : i32
      %mul3A_40 = arith.muli %while3A_37, %mul3A_39 : i32
      %add3A_41 = arith.addi %mul3A_13, %mul3A_40 : i32
      "tpu.region"() ({
        %run_scoped3A = tpu.sem_alloc : memref<!tpu.dma_semaphore, #tpu.memory_space<semaphore_mem>>
        %dma_start3A_104 = arith.constant 0 : i32
        %dma_start3A_105 = tpu.memref_slice %arg2[%add3A_41, %dma_start3A_104] : memref<2560x128xi32, #tpu.memory_space<hbm>> -> memref<40x128xi32, #tpu.memory_space<hbm>>
        %dma_start3A_106 = arith.constant 0 : i32
        %dma_start3A_107 = tpu.memref_slice %arg2[%add3A_41, %dma_start3A_106] : memref<2560x128xi32, #tpu.memory_space<hbm>> -> memref<40x128xi32, #tpu.memory_space<hbm>>
        tpu.enqueue_dma source(%dma_start3A_107 : memref<40x128xi32, #tpu.memory_space<hbm>>) target(%arg6 : memref<40x128xi32, #tpu.memory_space<vmem>>) target_semaphore(%run_scoped3A : memref<!tpu.dma_semaphore, #tpu.memory_space<semaphore_mem>>)
        %dma_wait3A_108 = arith.constant 0 : i32
        %dma_wait3A_109 = tpu.memref_slice %arg2[%add3A_41, %dma_wait3A_108] : memref<2560x128xi32, #tpu.memory_space<hbm>> -> memref<40x128xi32, #tpu.memory_space<hbm>>
        %dma_wait3A_110 = arith.constant 0 : i32
        %dma_wait3A_111 = tpu.memref_slice %arg2[%add3A_41, %dma_wait3A_110] : memref<2560x128xi32, #tpu.memory_space<hbm>> -> memref<40x128xi32, #tpu.memory_space<hbm>>
        tpu.wait_dma2 semaphore(%run_scoped3A : memref<!tpu.dma_semaphore, #tpu.memory_space<semaphore_mem>>) src(%dma_wait3A_111 : memref<40x128xi32, #tpu.memory_space<hbm>>) dst(%arg6 : memref<40x128xi32, #tpu.memory_space<vmem>>)
        tpu.yield
      }) : () -> ()
      "tpu.region"() ({
        %run_scoped3A = tpu.sem_alloc : memref<!tpu.dma_semaphore, #tpu.memory_space<semaphore_mem>>
        %dma_start3A_104 = arith.constant 0 : i32
        %dma_start3A_105 = tpu.memref_slice %arg3[%add3A_41, %dma_start3A_104] : memref<2560x128xi32, #tpu.memory_space<hbm>> -> memref<40x128xi32, #tpu.memory_space<hbm>>
        %dma_start3A_106 = arith.constant 0 : i32
        %dma_start3A_107 = tpu.memref_slice %arg3[%add3A_41, %dma_start3A_106] : memref<2560x128xi32, #tpu.memory_space<hbm>> -> memref<40x128xi32, #tpu.memory_space<hbm>>
        tpu.enqueue_dma source(%dma_start3A_107 : memref<40x128xi32, #tpu.memory_space<hbm>>) target(%arg7 : memref<40x128xi32, #tpu.memory_space<vmem>>) target_semaphore(%run_scoped3A : memref<!tpu.dma_semaphore, #tpu.memory_space<semaphore_mem>>)
        %dma_wait3A_108 = arith.constant 0 : i32
        %dma_wait3A_109 = tpu.memref_slice %arg3[%add3A_41, %dma_wait3A_108] : memref<2560x128xi32, #tpu.memory_space<hbm>> -> memref<40x128xi32, #tpu.memory_space<hbm>>
        %dma_wait3A_110 = arith.constant 0 : i32
        %dma_wait3A_111 = tpu.memref_slice %arg3[%add3A_41, %dma_wait3A_110] : memref<2560x128xi32, #tpu.memory_space<hbm>> -> memref<40x128xi32, #tpu.memory_space<hbm>>
        tpu.wait_dma2 semaphore(%run_scoped3A : memref<!tpu.dma_semaphore, #tpu.memory_space<semaphore_mem>>) src(%dma_wait3A_111 : memref<40x128xi32, #tpu.memory_space<hbm>>) dst(%arg7 : memref<40x128xi32, #tpu.memory_space<vmem>>)
        tpu.yield
      }) : () -> ()
      %dma_start3A = arith.constant 0 : i32
      %dma_start3A_42 = arith.constant 0 : i32
      %dma_start3A_43 = tpu.memref_slice %arg6[%dma_start3A, %dma_start3A_42] : memref<40x128xi32, #tpu.memory_space<vmem>> -> memref<1x128xi32, #tpu.memory_space<vmem>>
      %dma_start3A_44 = tpu.memref_squeeze %dma_start3A_43 : memref<1x128xi32, #tpu.memory_space<vmem>> -> memref<128xi32, #tpu.memory_space<vmem>>
      %dma_start3A_45 = arith.constant 0 : i32
      %dma_start3A_46 = arith.constant 0 : i32
      %dma_start3A_47 = tpu.memref_slice %arg4[%dma_start3A_45, %dma_start3A_46] : memref<10000x128xf32, #tpu.memory_space<hbm>> -> memref<10000x128xf32, #tpu.memory_space<hbm>>
      tpu.enqueue_indirect_dma source(%dma_start3A_47 : memref<10000x128xf32, #tpu.memory_space<hbm>>) target(%arg8 : memref<128x128xf32, #tpu.memory_space<vmem>>) offsets(%dma_start3A_44 : memref<128xi32, #tpu.memory_space<vmem>>) semaphore(%arg12 : memref<!tpu.dma_semaphore, #tpu.memory_space<semaphore_mem>>)
      %dma_wait3A = arith.constant 0 : i32
      %dma_wait3A_48 = arith.constant 0 : i32
      %dma_wait3A_49 = tpu.memref_slice %arg6[%dma_wait3A, %dma_wait3A_48] : memref<40x128xi32, #tpu.memory_space<vmem>> -> memref<1x128xi32, #tpu.memory_space<vmem>>
      %dma_wait3A_50 = tpu.memref_squeeze %dma_wait3A_49 : memref<1x128xi32, #tpu.memory_space<vmem>> -> memref<128xi32, #tpu.memory_space<vmem>>
      %dma_wait3A_51 = arith.constant 0 : i32
      %dma_wait3A_52 = arith.constant 0 : i32
      %dma_wait3A_53 = tpu.memref_slice %arg4[%dma_wait3A_51, %dma_wait3A_52] : memref<10000x128xf32, #tpu.memory_space<hbm>> -> memref<10000x128xf32, #tpu.memory_space<hbm>>
      tpu.wait_indirect_dma semaphore(%arg12 : memref<!tpu.dma_semaphore, #tpu.memory_space<semaphore_mem>>) src(%dma_wait3A_53 : memref<10000x128xf32, #tpu.memory_space<hbm>>) dst(%arg8 : memref<128x128xf32, #tpu.memory_space<vmem>>)
      %dma_start3A_54 = arith.constant 1 : i32
      %dma_start3A_55 = arith.constant 0 : i32
      %dma_start3A_56 = tpu.memref_slice %arg6[%dma_start3A_54, %dma_start3A_55] : memref<40x128xi32, #tpu.memory_space<vmem>> -> memref<1x128xi32, #tpu.memory_space<vmem>>
      %dma_start3A_57 = tpu.memref_squeeze %dma_start3A_56 : memref<1x128xi32, #tpu.memory_space<vmem>> -> memref<128xi32, #tpu.memory_space<vmem>>
      %dma_start3A_58 = arith.constant 0 : i32
      %dma_start3A_59 = arith.constant 0 : i32
      %dma_start3A_60 = tpu.memref_slice %arg4[%dma_start3A_58, %dma_start3A_59] : memref<10000x128xf32, #tpu.memory_space<hbm>> -> memref<10000x128xf32, #tpu.memory_space<hbm>>
      tpu.enqueue_indirect_dma source(%dma_start3A_60 : memref<10000x128xf32, #tpu.memory_space<hbm>>) target(%arg9 : memref<128x128xf32, #tpu.memory_space<vmem>>) offsets(%dma_start3A_57 : memref<128xi32, #tpu.memory_space<vmem>>) semaphore(%arg13 : memref<!tpu.dma_semaphore, #tpu.memory_space<semaphore_mem>>)
      %dma_start3A_61 = arith.constant 0 : i32
      %dma_start3A_62 = arith.constant 0 : i32
      %dma_start3A_63 = tpu.memref_slice %arg7[%dma_start3A_61, %dma_start3A_62] : memref<40x128xi32, #tpu.memory_space<vmem>> -> memref<1x128xi32, #tpu.memory_space<vmem>>
      %dma_start3A_64 = tpu.memref_squeeze %dma_start3A_63 : memref<1x128xi32, #tpu.memory_space<vmem>> -> memref<128xi32, #tpu.memory_space<vmem>>
      %dma_start3A_65 = arith.constant 0 : i32
      %dma_start3A_66 = arith.constant 0 : i32
      %dma_start3A_67 = tpu.memref_slice %arg11[%dma_start3A_65, %dma_start3A_66] : memref<10240x128xf32, #tpu.memory_space<vmem_shared>> -> memref<10240x128xf32, #tpu.memory_space<vmem_shared>>
      tpu.enqueue_indirect_dma source(%arg8 : memref<128x128xf32, #tpu.memory_space<vmem>>) target(%dma_start3A_67 : memref<10240x128xf32, #tpu.memory_space<vmem_shared>>) offsets(%dma_start3A_64 : memref<128xi32, #tpu.memory_space<vmem>>) semaphore(%arg14 : memref<!tpu.dma_semaphore, #tpu.memory_space<semaphore_mem>>) {add = true}
      %scan3A_68 = arith.constant 0 : i32
      %scan3A_69 = arith.constant 1 : i32
      %scan3A_70 = arith.constant 19 : i32
      %scan3A_71 = arith.addi %scan3A_69, %scan3A_70 : i32
      %scan3A_72 = arith.constant 1 : i32
      %scan3A_73 = scf.for %scan3A_104 = %scan3A_69 to %scan3A_71 step %scan3A_72 iter_args(%scan3A_105 = %scan3A_68) -> (i32)  : i32 {
        %dma_wait3A_106 = arith.constant 0 : i32
        %dma_wait3A_107 = arith.constant 0 : i32
        %dma_wait3A_108 = tpu.memref_slice %arg6[%dma_wait3A_106, %dma_wait3A_107] : memref<40x128xi32, #tpu.memory_space<vmem>> -> memref<1x128xi32, #tpu.memory_space<vmem>>
        %dma_wait3A_109 = tpu.memref_squeeze %dma_wait3A_108 : memref<1x128xi32, #tpu.memory_space<vmem>> -> memref<128xi32, #tpu.memory_space<vmem>>
        %dma_wait3A_110 = arith.constant 0 : i32
        %dma_wait3A_111 = arith.constant 0 : i32
        %dma_wait3A_112 = tpu.memref_slice %arg4[%dma_wait3A_110, %dma_wait3A_111] : memref<10000x128xf32, #tpu.memory_space<hbm>> -> memref<10000x128xf32, #tpu.memory_space<hbm>>
        tpu.wait_indirect_dma semaphore(%arg13 : memref<!tpu.dma_semaphore, #tpu.memory_space<semaphore_mem>>) src(%dma_wait3A_112 : memref<10000x128xf32, #tpu.memory_space<hbm>>) dst(%arg9 : memref<128x128xf32, #tpu.memory_space<vmem>>)
        %dma_wait3A_113 = arith.constant 0 : i32
        %dma_wait3A_114 = arith.constant 0 : i32
        %dma_wait3A_115 = tpu.memref_slice %arg7[%dma_wait3A_113, %dma_wait3A_114] : memref<40x128xi32, #tpu.memory_space<vmem>> -> memref<1x128xi32, #tpu.memory_space<vmem>>
        %dma_wait3A_116 = tpu.memref_squeeze %dma_wait3A_115 : memref<1x128xi32, #tpu.memory_space<vmem>> -> memref<128xi32, #tpu.memory_space<vmem>>
        %dma_wait3A_117 = arith.constant 0 : i32
        %dma_wait3A_118 = arith.constant 0 : i32
        %dma_wait3A_119 = tpu.memref_slice %arg11[%dma_wait3A_117, %dma_wait3A_118] : memref<10240x128xf32, #tpu.memory_space<vmem_shared>> -> memref<10240x128xf32, #tpu.memory_space<vmem_shared>>
        tpu.wait_indirect_dma semaphore(%arg14 : memref<!tpu.dma_semaphore, #tpu.memory_space<semaphore_mem>>) src(%arg8 : memref<128x128xf32, #tpu.memory_space<vmem>>) dst(%dma_wait3A_119 : memref<10240x128xf32, #tpu.memory_space<vmem_shared>>)
        %mul3A_120 = arith.constant 2 : i32
        %mul3A_121 = arith.muli %mul3A_120, %scan3A_104 : i32
        %dma_start3A_122 = arith.constant 0 : i32
        %dma_start3A_123 = tpu.memref_slice %arg6[%mul3A_121, %dma_start3A_122] : memref<40x128xi32, #tpu.memory_space<vmem>> -> memref<1x128xi32, #tpu.memory_space<vmem>>
        %dma_start3A_124 = tpu.memref_squeeze %dma_start3A_123 : memref<1x128xi32, #tpu.memory_space<vmem>> -> memref<128xi32, #tpu.memory_space<vmem>>
        %dma_start3A_125 = arith.constant 0 : i32
        %dma_start3A_126 = arith.constant 0 : i32
        %dma_start3A_127 = tpu.memref_slice %arg4[%dma_start3A_125, %dma_start3A_126] : memref<10000x128xf32, #tpu.memory_space<hbm>> -> memref<10000x128xf32, #tpu.memory_space<hbm>>
        tpu.enqueue_indirect_dma source(%dma_start3A_127 : memref<10000x128xf32, #tpu.memory_space<hbm>>) target(%arg8 : memref<128x128xf32, #tpu.memory_space<vmem>>) offsets(%dma_start3A_124 : memref<128xi32, #tpu.memory_space<vmem>>) semaphore(%arg12 : memref<!tpu.dma_semaphore, #tpu.memory_space<semaphore_mem>>)
        %mul3A_128 = arith.constant 2 : i32
        %mul3A_129 = arith.muli %mul3A_128, %scan3A_104 : i32
        %sub3A = arith.constant 1 : i32
        %sub3A_130 = arith.subi %mul3A_129, %sub3A : i32
        %dma_start3A_131 = arith.constant 0 : i32
        %dma_start3A_132 = tpu.memref_slice %arg7[%sub3A_130, %dma_start3A_131] : memref<40x128xi32, #tpu.memory_space<vmem>> -> memref<1x128xi32, #tpu.memory_space<vmem>>
        %dma_start3A_133 = tpu.memref_squeeze %dma_start3A_132 : memref<1x128xi32, #tpu.memory_space<vmem>> -> memref<128xi32, #tpu.memory_space<vmem>>
        %dma_start3A_134 = arith.constant 0 : i32
        %dma_start3A_135 = arith.constant 0 : i32
        %dma_start3A_136 = tpu.memref_slice %arg11[%dma_start3A_134, %dma_start3A_135] : memref<10240x128xf32, #tpu.memory_space<vmem_shared>> -> memref<10240x128xf32, #tpu.memory_space<vmem_shared>>
        tpu.enqueue_indirect_dma source(%arg9 : memref<128x128xf32, #tpu.memory_space<vmem>>) target(%dma_start3A_136 : memref<10240x128xf32, #tpu.memory_space<vmem_shared>>) offsets(%dma_start3A_133 : memref<128xi32, #tpu.memory_space<vmem>>) semaphore(%arg15 : memref<!tpu.dma_semaphore, #tpu.memory_space<semaphore_mem>>) {add = true}
        %dma_wait3A_137 = arith.constant 0 : i32
        %dma_wait3A_138 = arith.constant 0 : i32
        %dma_wait3A_139 = tpu.memref_slice %arg6[%dma_wait3A_137, %dma_wait3A_138] : memref<40x128xi32, #tpu.memory_space<vmem>> -> memref<1x128xi32, #tpu.memory_space<vmem>>
        %dma_wait3A_140 = tpu.memref_squeeze %dma_wait3A_139 : memref<1x128xi32, #tpu.memory_space<vmem>> -> memref<128xi32, #tpu.memory_space<vmem>>
        %dma_wait3A_141 = arith.constant 0 : i32
        %dma_wait3A_142 = arith.constant 0 : i32
        %dma_wait3A_143 = tpu.memref_slice %arg4[%dma_wait3A_141, %dma_wait3A_142] : memref<10000x128xf32, #tpu.memory_space<hbm>> -> memref<10000x128xf32, #tpu.memory_space<hbm>>
        tpu.wait_indirect_dma semaphore(%arg12 : memref<!tpu.dma_semaphore, #tpu.memory_space<semaphore_mem>>) src(%dma_wait3A_143 : memref<10000x128xf32, #tpu.memory_space<hbm>>) dst(%arg8 : memref<128x128xf32, #tpu.memory_space<vmem>>)
        %dma_wait3A_144 = arith.constant 0 : i32
        %dma_wait3A_145 = arith.constant 0 : i32
        %dma_wait3A_146 = tpu.memref_slice %arg7[%dma_wait3A_144, %dma_wait3A_145] : memref<40x128xi32, #tpu.memory_space<vmem>> -> memref<1x128xi32, #tpu.memory_space<vmem>>
        %dma_wait3A_147 = tpu.memref_squeeze %dma_wait3A_146 : memref<1x128xi32, #tpu.memory_space<vmem>> -> memref<128xi32, #tpu.memory_space<vmem>>
        %dma_wait3A_148 = arith.constant 0 : i32
        %dma_wait3A_149 = arith.constant 0 : i32
        %dma_wait3A_150 = tpu.memref_slice %arg11[%dma_wait3A_148, %dma_wait3A_149] : memref<10240x128xf32, #tpu.memory_space<vmem_shared>> -> memref<10240x128xf32, #tpu.memory_space<vmem_shared>>
        tpu.wait_indirect_dma semaphore(%arg15 : memref<!tpu.dma_semaphore, #tpu.memory_space<semaphore_mem>>) src(%arg9 : memref<128x128xf32, #tpu.memory_space<vmem>>) dst(%dma_wait3A_150 : memref<10240x128xf32, #tpu.memory_space<vmem_shared>>)
        %mul3A_151 = arith.constant 2 : i32
        %mul3A_152 = arith.muli %mul3A_151, %scan3A_104 : i32
        %add3A_153 = arith.constant 1 : i32
        %add3A_154 = arith.addi %mul3A_152, %add3A_153 : i32
        %dma_start3A_155 = arith.constant 0 : i32
        %dma_start3A_156 = tpu.memref_slice %arg6[%add3A_154, %dma_start3A_155] : memref<40x128xi32, #tpu.memory_space<vmem>> -> memref<1x128xi32, #tpu.memory_space<vmem>>
        %dma_start3A_157 = tpu.memref_squeeze %dma_start3A_156 : memref<1x128xi32, #tpu.memory_space<vmem>> -> memref<128xi32, #tpu.memory_space<vmem>>
        %dma_start3A_158 = arith.constant 0 : i32
        %dma_start3A_159 = arith.constant 0 : i32
        %dma_start3A_160 = tpu.memref_slice %arg4[%dma_start3A_158, %dma_start3A_159] : memref<10000x128xf32, #tpu.memory_space<hbm>> -> memref<10000x128xf32, #tpu.memory_space<hbm>>
        tpu.enqueue_indirect_dma source(%dma_start3A_160 : memref<10000x128xf32, #tpu.memory_space<hbm>>) target(%arg9 : memref<128x128xf32, #tpu.memory_space<vmem>>) offsets(%dma_start3A_157 : memref<128xi32, #tpu.memory_space<vmem>>) semaphore(%arg13 : memref<!tpu.dma_semaphore, #tpu.memory_space<semaphore_mem>>)
        %mul3A_161 = arith.constant 2 : i32
        %mul3A_162 = arith.muli %mul3A_161, %scan3A_104 : i32
        %dma_start3A_163 = arith.constant 0 : i32
        %dma_start3A_164 = tpu.memref_slice %arg7[%mul3A_162, %dma_start3A_163] : memref<40x128xi32, #tpu.memory_space<vmem>> -> memref<1x128xi32, #tpu.memory_space<vmem>>
        %dma_start3A_165 = tpu.memref_squeeze %dma_start3A_164 : memref<1x128xi32, #tpu.memory_space<vmem>> -> memref<128xi32, #tpu.memory_space<vmem>>
        %dma_start3A_166 = arith.constant 0 : i32
        %dma_start3A_167 = arith.constant 0 : i32
        %dma_start3A_168 = tpu.memref_slice %arg11[%dma_start3A_166, %dma_start3A_167] : memref<10240x128xf32, #tpu.memory_space<vmem_shared>> -> memref<10240x128xf32, #tpu.memory_space<vmem_shared>>
        tpu.enqueue_indirect_dma source(%arg8 : memref<128x128xf32, #tpu.memory_space<vmem>>) target(%dma_start3A_168 : memref<10240x128xf32, #tpu.memory_space<vmem_shared>>) offsets(%dma_start3A_165 : memref<128xi32, #tpu.memory_space<vmem>>) semaphore(%arg14 : memref<!tpu.dma_semaphore, #tpu.memory_space<semaphore_mem>>) {add = true}
        %scan3A_169 = arith.constant 0 : i32
        scf.yield %scan3A_169 : i32
      }
      %scan3A_74 = arith.constant 19 : i32
      %dma_wait3A_75 = arith.constant 0 : i32
      %dma_wait3A_76 = arith.constant 0 : i32
      %dma_wait3A_77 = tpu.memref_slice %arg6[%dma_wait3A_75, %dma_wait3A_76] : memref<40x128xi32, #tpu.memory_space<vmem>> -> memref<1x128xi32, #tpu.memory_space<vmem>>
      %dma_wait3A_78 = tpu.memref_squeeze %dma_wait3A_77 : memref<1x128xi32, #tpu.memory_space<vmem>> -> memref<128xi32, #tpu.memory_space<vmem>>
      %dma_wait3A_79 = arith.constant 0 : i32
      %dma_wait3A_80 = arith.constant 0 : i32
      %dma_wait3A_81 = tpu.memref_slice %arg4[%dma_wait3A_79, %dma_wait3A_80] : memref<10000x128xf32, #tpu.memory_space<hbm>> -> memref<10000x128xf32, #tpu.memory_space<hbm>>
      tpu.wait_indirect_dma semaphore(%arg13 : memref<!tpu.dma_semaphore, #tpu.memory_space<semaphore_mem>>) src(%dma_wait3A_81 : memref<10000x128xf32, #tpu.memory_space<hbm>>) dst(%arg9 : memref<128x128xf32, #tpu.memory_space<vmem>>)
      %dma_wait3A_82 = arith.constant 0 : i32
      %dma_wait3A_83 = arith.constant 0 : i32
      %dma_wait3A_84 = tpu.memref_slice %arg7[%dma_wait3A_82, %dma_wait3A_83] : memref<40x128xi32, #tpu.memory_space<vmem>> -> memref<1x128xi32, #tpu.memory_space<vmem>>
      %dma_wait3A_85 = tpu.memref_squeeze %dma_wait3A_84 : memref<1x128xi32, #tpu.memory_space<vmem>> -> memref<128xi32, #tpu.memory_space<vmem>>
      %dma_wait3A_86 = arith.constant 0 : i32
      %dma_wait3A_87 = arith.constant 0 : i32
      %dma_wait3A_88 = tpu.memref_slice %arg11[%dma_wait3A_86, %dma_wait3A_87] : memref<10240x128xf32, #tpu.memory_space<vmem_shared>> -> memref<10240x128xf32, #tpu.memory_space<vmem_shared>>
      tpu.wait_indirect_dma semaphore(%arg14 : memref<!tpu.dma_semaphore, #tpu.memory_space<semaphore_mem>>) src(%arg8 : memref<128x128xf32, #tpu.memory_space<vmem>>) dst(%dma_wait3A_88 : memref<10240x128xf32, #tpu.memory_space<vmem_shared>>)
      %dma_start3A_89 = arith.constant 39 : i32
      %dma_start3A_90 = arith.constant 0 : i32
      %dma_start3A_91 = tpu.memref_slice %arg7[%dma_start3A_89, %dma_start3A_90] : memref<40x128xi32, #tpu.memory_space<vmem>> -> memref<1x128xi32, #tpu.memory_space<vmem>>
      %dma_start3A_92 = tpu.memref_squeeze %dma_start3A_91 : memref<1x128xi32, #tpu.memory_space<vmem>> -> memref<128xi32, #tpu.memory_space<vmem>>
      %dma_start3A_93 = arith.constant 0 : i32
      %dma_start3A_94 = arith.constant 0 : i32
      %dma_start3A_95 = tpu.memref_slice %arg11[%dma_start3A_93, %dma_start3A_94] : memref<10240x128xf32, #tpu.memory_space<vmem_shared>> -> memref<10240x128xf32, #tpu.memory_space<vmem_shared>>
      tpu.enqueue_indirect_dma source(%arg9 : memref<128x128xf32, #tpu.memory_space<vmem>>) target(%dma_start3A_95 : memref<10240x128xf32, #tpu.memory_space<vmem_shared>>) offsets(%dma_start3A_92 : memref<128xi32, #tpu.memory_space<vmem>>) semaphore(%arg15 : memref<!tpu.dma_semaphore, #tpu.memory_space<semaphore_mem>>) {add = true}
      %dma_wait3A_96 = arith.constant 39 : i32
      %dma_wait3A_97 = arith.constant 0 : i32
      %dma_wait3A_98 = tpu.memref_slice %arg7[%dma_wait3A_96, %dma_wait3A_97] : memref<40x128xi32, #tpu.memory_space<vmem>> -> memref<1x128xi32, #tpu.memory_space<vmem>>
      %dma_wait3A_99 = tpu.memref_squeeze %dma_wait3A_98 : memref<1x128xi32, #tpu.memory_space<vmem>> -> memref<128xi32, #tpu.memory_space<vmem>>
      %dma_wait3A_100 = arith.constant 0 : i32
      %dma_wait3A_101 = arith.constant 0 : i32
      %dma_wait3A_102 = tpu.memref_slice %arg11[%dma_wait3A_100, %dma_wait3A_101] : memref<10240x128xf32, #tpu.memory_space<vmem_shared>> -> memref<10240x128xf32, #tpu.memory_space<vmem_shared>>
      tpu.wait_indirect_dma semaphore(%arg15 : memref<!tpu.dma_semaphore, #tpu.memory_space<semaphore_mem>>) src(%arg9 : memref<128x128xf32, #tpu.memory_space<vmem>>) dst(%dma_wait3A_102 : memref<10240x128xf32, #tpu.memory_space<vmem_shared>>)
      %while3A_103 = arith.constant 0 : i32
      scf.yield %while3A_103 : i32
    }
    %eq3A_27 = arith.constant 1 : i32
    %eq3A_28 = arith.cmpi eq, %arg0, %eq3A_27 : i32
    %convert_element_type3A = arith.extui %eq3A_28 : i1 to i32
    %cond3A = arith.constant 0 : i32
    %cond3A_29 = arith.cmpi ne, %convert_element_type3A, %cond3A : i32
    scf.if %cond3A_29 {
      %broadcast_in_dim3A = arith.constant 0.000000e+00 : f32
      %broadcast_in_dim3A_37 = vector.broadcast %broadcast_in_dim3A : f32 to vector<16xf32>
      %scan3A_38 = arith.constant 0 : i32
      %scan3A_39 = arith.constant 40000 : i32
      %scan3A_40 = arith.addi %scan3A_38, %scan3A_39 : i32
      %scan3A_41 = arith.constant 1 : i32
      %scan3A_42 = scf.for %scan3A_47 = %scan3A_38 to %scan3A_40 step %scan3A_41 iter_args(%scan3A_48 = %broadcast_in_dim3A_37) -> (vector<16xf32>)  : i32 {
        %mul3A_49 = arith.constant 1.00000012 : f32
        %mul3A_50 = vector.broadcast %mul3A_49 : f32 to vector<16xf32>
        %mul3A_51 = arith.mulf %scan3A_48, %mul3A_50 : vector<16xf32>
        %add3A_52 = arith.constant 1.000000e+00 : f32
        %add3A_53 = vector.broadcast %add3A_52 : f32 to vector<16xf32>
        %add3A_54 = arith.addf %mul3A_51, %add3A_53 : vector<16xf32>
        scf.yield %add3A_54 : vector<16xf32>
      }
      %scan3A_43 = arith.constant 40000 : i32
      %swap3A = arith.constant 0 : index
      %swap3A_44 = tpu.vector_load %arg10[%swap3A] {strides = array<i32>} : memref<16xf32, #tpu.memory_space<vmem>>, vector<16xf32>,
      %swap3A_45 = vector.shape_cast %swap3A_44 : vector<16xf32> to vector<16xf32>
      %swap3A_46 = vector.shape_cast %scan3A_42 : vector<16xf32> to vector<16xf32>
      tpu.vector_store %arg10[%swap3A], %swap3A_46 {strides = array<i32>} : memref<16xf32, #tpu.memory_space<vmem>>, vector<16xf32>,
    } else {
    }
    %barrier3A_30 = arith.constant 0 : index
    tpu.barrier barrier_id(%barrier3A_30)
    "tpu.trace_stop"() : () -> ()
    "tpu.trace_start"() <{level = 10 : i32, message = "agg_writeback"}> : () -> ()
    %mul3A_31 = arith.constant 640 : i32
    %mul3A_32 = arith.muli %arg1, %mul3A_31 : i32
    %mul3A_33 = arith.constant 10240 : i32
    %mul3A_34 = arith.muli %arg0, %mul3A_33 : i32
    %mul3A_35 = arith.constant 640 : i32
    %mul3A_36 = arith.muli %arg1, %mul3A_35 : i32
    %add3A = arith.addi %mul3A_34, %mul3A_36 : i32
    "tpu.region"() ({
      %run_scoped3A = tpu.sem_alloc : memref<!tpu.dma_semaphore, #tpu.memory_space<semaphore_mem>>
      %dma_start3A = arith.constant 0 : i32
      %dma_start3A_37 = tpu.memref_slice %arg5[%add3A, %dma_start3A] : memref<20480x128xf32, #tpu.memory_space<hbm>> -> memref<640x128xf32, #tpu.memory_space<hbm>>
      %dma_start3A_38 = arith.constant 0 : i32
      %dma_start3A_39 = tpu.memref_slice %arg11[%mul3A_32, %dma_start3A_38] : memref<10240x128xf32, #tpu.memory_space<vmem_shared>> -> memref<640x128xf32, #tpu.memory_space<vmem_shared>>
      tpu.enqueue_dma source(%dma_start3A_39 : memref<640x128xf32, #tpu.memory_space<vmem_shared>>) target(%dma_start3A_37 : memref<640x128xf32, #tpu.memory_space<hbm>>) target_semaphore(%run_scoped3A : memref<!tpu.dma_semaphore, #tpu.memory_space<semaphore_mem>>)
      %dma_wait3A = arith.constant 0 : i32
      %dma_wait3A_40 = tpu.memref_slice %arg5[%add3A, %dma_wait3A] : memref<20480x128xf32, #tpu.memory_space<hbm>> -> memref<640x128xf32, #tpu.memory_space<hbm>>
      %dma_wait3A_41 = arith.constant 0 : i32
      %dma_wait3A_42 = tpu.memref_slice %arg11[%mul3A_32, %dma_wait3A_41] : memref<10240x128xf32, #tpu.memory_space<vmem_shared>> -> memref<640x128xf32, #tpu.memory_space<vmem_shared>>
      tpu.wait_dma2 semaphore(%run_scoped3A : memref<!tpu.dma_semaphore, #tpu.memory_space<semaphore_mem>>) src(%dma_wait3A_42 : memref<640x128xf32, #tpu.memory_space<vmem_shared>>) dst(%dma_wait3A_40 : memref<640x128xf32, #tpu.memory_space<hbm>>)
      tpu.yield
    }) : () -> ()
    "tpu.trace_stop"() : () -> ()
    return
  }
}

#map = affine_map<(d0, d1) -> (0, 0)>
module attributes {stable_mosaic.version = 14 : i64} {
  func.func @_sc_aggregate_body(%arg0: i32, %arg1: i32, %arg2: memref<2560x128xi32, #tpu.memory_space<hbm>>, %arg3: memref<2560x128xi32, #tpu.memory_space<hbm>>, %arg4: memref<10000x128xf32, #tpu.memory_space<hbm>>, %arg5: memref<20480x128xf32, #tpu.memory_space<hbm>>, %arg6: memref<40x128xi32, #tpu.memory_space<vmem>>, %arg7: memref<40x128xi32, #tpu.memory_space<vmem>>, %arg8: memref<128x128xf32, #tpu.memory_space<vmem>>, %arg9: memref<128x128xf32, #tpu.memory_space<vmem>>, %arg10: memref<16xf32, #tpu.memory_space<vmem>>, %arg11: memref<10240x128xf32, #tpu.memory_space<vmem_shared>>, %arg12: memref<!tpu.dma_semaphore, #tpu.memory_space<semaphore_mem>>, %arg13: memref<!tpu.dma_semaphore, #tpu.memory_space<semaphore_mem>>, %arg14: memref<!tpu.dma_semaphore, #tpu.memory_space<semaphore_mem>>, %arg15: memref<!tpu.dma_semaphore, #tpu.memory_space<semaphore_mem>>) attributes {dimension_semantics = [#tpu.dimension_semantics<core_parallel>, #tpu.dimension_semantics<subcore_parallel>], iteration_bounds = array<i64: 2, 16>, scalar_prefetch = 0 : i64, scratch_operands = 10 : i64, tpu.core_type = #tpu.core_type<sc_vector_subcore>, window_params = [{transform_indices = #map}, {transform_indices = #map}, {transform_indices = #map}, {transform_indices = #map}]} {
    "tpu.trace_start"() <{level = 10 : i32, message = "agg_zero"}> : () -> ()
    %scan3A = arith.constant 0 : i32
    %scan3A_0 = arith.constant 0 : i32
    %scan3A_1 = arith.constant 128 : i32
    %scan3A_2 = arith.addi %scan3A_0, %scan3A_1 : i32
    %scan3A_3 = arith.constant 1 : i32
    %scan3A_4 = scf.for %scan3A_37 = %scan3A_0 to %scan3A_2 step %scan3A_3 iter_args(%scan3A_38 = %scan3A) -> (i32)  : i32 {
      %broadcast_in_dim3A = arith.constant 0.000000e+00 : f32
      %broadcast_in_dim3A_39 = vector.broadcast %broadcast_in_dim3A : f32 to vector<16xf32>
      %swap3A = arith.index_cast %scan3A_37 : i32 to index
      %swap3A_40 = arith.constant 0 : index
      %swap3A_41 = tpu.vector_load %arg8[%swap3A, %swap3A_40] {strides = array<i32>} : memref<128x128xf32, #tpu.memory_space<vmem>>, vector<1x16xf32>,
      %swap3A_42 = vector.shape_cast %swap3A_41 : vector<1x16xf32> to vector<16xf32>
      %swap3A_43 = vector.shape_cast %broadcast_in_dim3A_39 : vector<16xf32> to vector<1x16xf32>
      tpu.vector_store %arg8[%swap3A, %swap3A_40], %swap3A_43 {strides = array<i32>} : memref<128x128xf32, #tpu.memory_space<vmem>>, vector<1x16xf32>,
      %broadcast_in_dim3A_44 = arith.constant 0.000000e+00 : f32
      %broadcast_in_dim3A_45 = vector.broadcast %broadcast_in_dim3A_44 : f32 to vector<16xf32>
      %swap3A_46 = arith.index_cast %scan3A_37 : i32 to index
      %swap3A_47 = arith.constant 16 : index
      %swap3A_48 = tpu.vector_load %arg8[%swap3A_46, %swap3A_47] {strides = array<i32>} : memref<128x128xf32, #tpu.memory_space<vmem>>, vector<1x16xf32>,
      %swap3A_49 = vector.shape_cast %swap3A_48 : vector<1x16xf32> to vector<16xf32>
      %swap3A_50 = vector.shape_cast %broadcast_in_dim3A_45 : vector<16xf32> to vector<1x16xf32>
      tpu.vector_store %arg8[%swap3A_46, %swap3A_47], %swap3A_50 {strides = array<i32>} : memref<128x128xf32, #tpu.memory_space<vmem>>, vector<1x16xf32>,
      %broadcast_in_dim3A_51 = arith.constant 0.000000e+00 : f32
      %broadcast_in_dim3A_52 = vector.broadcast %broadcast_in_dim3A_51 : f32 to vector<16xf32>
      %swap3A_53 = arith.index_cast %scan3A_37 : i32 to index
      %swap3A_54 = arith.constant 32 : index
      %swap3A_55 = tpu.vector_load %arg8[%swap3A_53, %swap3A_54] {strides = array<i32>} : memref<128x128xf32, #tpu.memory_space<vmem>>, vector<1x16xf32>,
      %swap3A_56 = vector.shape_cast %swap3A_55 : vector<1x16xf32> to vector<16xf32>
      %swap3A_57 = vector.shape_cast %broadcast_in_dim3A_52 : vector<16xf32> to vector<1x16xf32>
      tpu.vector_store %arg8[%swap3A_53, %swap3A_54], %swap3A_57 {strides = array<i32>} : memref<128x128xf32, #tpu.memory_space<vmem>>, vector<1x16xf32>,
      %broadcast_in_dim3A_58 = arith.constant 0.000000e+00 : f32
      %broadcast_in_dim3A_59 = vector.broadcast %broadcast_in_dim3A_58 : f32 to vector<16xf32>
      %swap3A_60 = arith.index_cast %scan3A_37 : i32 to index
      %swap3A_61 = arith.constant 48 : index
      %swap3A_62 = tpu.vector_load %arg8[%swap3A_60, %swap3A_61] {strides = array<i32>} : memref<128x128xf32, #tpu.memory_space<vmem>>, vector<1x16xf32>,
      %swap3A_63 = vector.shape_cast %swap3A_62 : vector<1x16xf32> to vector<16xf32>
      %swap3A_64 = vector.shape_cast %broadcast_in_dim3A_59 : vector<16xf32> to vector<1x16xf32>
      tpu.vector_store %arg8[%swap3A_60, %swap3A_61], %swap3A_64 {strides = array<i32>} : memref<128x128xf32, #tpu.memory_space<vmem>>, vector<1x16xf32>,
      %broadcast_in_dim3A_65 = arith.constant 0.000000e+00 : f32
      %broadcast_in_dim3A_66 = vector.broadcast %broadcast_in_dim3A_65 : f32 to vector<16xf32>
      %swap3A_67 = arith.index_cast %scan3A_37 : i32 to index
      %swap3A_68 = arith.constant 64 : index
      %swap3A_69 = tpu.vector_load %arg8[%swap3A_67, %swap3A_68] {strides = array<i32>} : memref<128x128xf32, #tpu.memory_space<vmem>>, vector<1x16xf32>,
      %swap3A_70 = vector.shape_cast %swap3A_69 : vector<1x16xf32> to vector<16xf32>
      %swap3A_71 = vector.shape_cast %broadcast_in_dim3A_66 : vector<16xf32> to vector<1x16xf32>
      tpu.vector_store %arg8[%swap3A_67, %swap3A_68], %swap3A_71 {strides = array<i32>} : memref<128x128xf32, #tpu.memory_space<vmem>>, vector<1x16xf32>,
      %broadcast_in_dim3A_72 = arith.constant 0.000000e+00 : f32
      %broadcast_in_dim3A_73 = vector.broadcast %broadcast_in_dim3A_72 : f32 to vector<16xf32>
      %swap3A_74 = arith.index_cast %scan3A_37 : i32 to index
      %swap3A_75 = arith.constant 80 : index
      %swap3A_76 = tpu.vector_load %arg8[%swap3A_74, %swap3A_75] {strides = array<i32>} : memref<128x128xf32, #tpu.memory_space<vmem>>, vector<1x16xf32>,
      %swap3A_77 = vector.shape_cast %swap3A_76 : vector<1x16xf32> to vector<16xf32>
      %swap3A_78 = vector.shape_cast %broadcast_in_dim3A_73 : vector<16xf32> to vector<1x16xf32>
      tpu.vector_store %arg8[%swap3A_74, %swap3A_75], %swap3A_78 {strides = array<i32>} : memref<128x128xf32, #tpu.memory_space<vmem>>, vector<1x16xf32>,
      %broadcast_in_dim3A_79 = arith.constant 0.000000e+00 : f32
      %broadcast_in_dim3A_80 = vector.broadcast %broadcast_in_dim3A_79 : f32 to vector<16xf32>
      %swap3A_81 = arith.index_cast %scan3A_37 : i32 to index
      %swap3A_82 = arith.constant 96 : index
      %swap3A_83 = tpu.vector_load %arg8[%swap3A_81, %swap3A_82] {strides = array<i32>} : memref<128x128xf32, #tpu.memory_space<vmem>>, vector<1x16xf32>,
      %swap3A_84 = vector.shape_cast %swap3A_83 : vector<1x16xf32> to vector<16xf32>
      %swap3A_85 = vector.shape_cast %broadcast_in_dim3A_80 : vector<16xf32> to vector<1x16xf32>
      tpu.vector_store %arg8[%swap3A_81, %swap3A_82], %swap3A_85 {strides = array<i32>} : memref<128x128xf32, #tpu.memory_space<vmem>>, vector<1x16xf32>,
      %broadcast_in_dim3A_86 = arith.constant 0.000000e+00 : f32
      %broadcast_in_dim3A_87 = vector.broadcast %broadcast_in_dim3A_86 : f32 to vector<16xf32>
      %swap3A_88 = arith.index_cast %scan3A_37 : i32 to index
      %swap3A_89 = arith.constant 112 : index
      %swap3A_90 = tpu.vector_load %arg8[%swap3A_88, %swap3A_89] {strides = array<i32>} : memref<128x128xf32, #tpu.memory_space<vmem>>, vector<1x16xf32>,
      %swap3A_91 = vector.shape_cast %swap3A_90 : vector<1x16xf32> to vector<16xf32>
      %swap3A_92 = vector.shape_cast %broadcast_in_dim3A_87 : vector<16xf32> to vector<1x16xf32>
      tpu.vector_store %arg8[%swap3A_88, %swap3A_89], %swap3A_92 {strides = array<i32>} : memref<128x128xf32, #tpu.memory_space<vmem>>, vector<1x16xf32>,
      %scan3A_93 = arith.constant 0 : i32
      scf.yield %scan3A_93 : i32
    }
    %scan3A_5 = arith.constant 128 : i32
    %scan3A_6 = arith.constant 0 : i32
    %scan3A_7 = arith.constant 0 : i32
    %scan3A_8 = arith.constant 5 : i32
    %scan3A_9 = arith.addi %scan3A_7, %scan3A_8 : i32
    %scan3A_10 = arith.constant 1 : i32
    %scan3A_11 = scf.for %scan3A_37 = %scan3A_7 to %scan3A_9 step %scan3A_10 iter_args(%scan3A_38 = %scan3A_6) -> (i32)  : i32 {
      %mul3A_39 = arith.constant 640 : i32
      %mul3A_40 = arith.muli %arg1, %mul3A_39 : i32
      %mul3A_41 = arith.constant 128 : i32
      %mul3A_42 = arith.muli %scan3A_37, %mul3A_41 : i32
      %add3A_43 = arith.addi %mul3A_40, %mul3A_42 : i32
      "tpu.region"() ({
        %run_scoped3A = tpu.sem_alloc : memref<!tpu.dma_semaphore, #tpu.memory_space<semaphore_mem>>
        %dma_start3A = arith.constant 0 : i32
        %dma_start3A_45 = tpu.memref_slice %arg11[%add3A_43, %dma_start3A] : memref<10240x128xf32, #tpu.memory_space<vmem_shared>> -> memref<128x128xf32, #tpu.memory_space<vmem_shared>>
        %dma_start3A_46 = arith.constant 0 : i32
        %dma_start3A_47 = tpu.memref_slice %arg11[%add3A_43, %dma_start3A_46] : memref<10240x128xf32, #tpu.memory_space<vmem_shared>> -> memref<128x128xf32, #tpu.memory_space<vmem_shared>>
        tpu.enqueue_dma source(%arg8 : memref<128x128xf32, #tpu.memory_space<vmem>>) target(%dma_start3A_47 : memref<128x128xf32, #tpu.memory_space<vmem_shared>>) target_semaphore(%run_scoped3A : memref<!tpu.dma_semaphore, #tpu.memory_space<semaphore_mem>>)
        %dma_wait3A = arith.constant 0 : i32
        %dma_wait3A_48 = tpu.memref_slice %arg11[%add3A_43, %dma_wait3A] : memref<10240x128xf32, #tpu.memory_space<vmem_shared>> -> memref<128x128xf32, #tpu.memory_space<vmem_shared>>
        %dma_wait3A_49 = arith.constant 0 : i32
        %dma_wait3A_50 = tpu.memref_slice %arg11[%add3A_43, %dma_wait3A_49] : memref<10240x128xf32, #tpu.memory_space<vmem_shared>> -> memref<128x128xf32, #tpu.memory_space<vmem_shared>>
        tpu.wait_dma2 semaphore(%run_scoped3A : memref<!tpu.dma_semaphore, #tpu.memory_space<semaphore_mem>>) src(%arg8 : memref<128x128xf32, #tpu.memory_space<vmem>>) dst(%dma_wait3A_50 : memref<128x128xf32, #tpu.memory_space<vmem_shared>>)
        tpu.yield
      }) : () -> ()
      %scan3A_44 = arith.constant 0 : i32
      scf.yield %scan3A_44 : i32
    }
    %scan3A_12 = arith.constant 5 : i32
    %barrier3A = arith.constant 0 : index
    tpu.barrier barrier_id(%barrier3A)
    "tpu.trace_stop"() : () -> ()
    %mul3A = arith.constant 160 : i32
    %mul3A_13 = arith.muli %arg1, %mul3A : i32
    %eq3A = arith.constant 0 : i32
    %eq3A_14 = arith.cmpi eq, %arg0, %eq3A : i32
    %jit3A = arith.constant 4 : i32
    %jit3A_15 = arith.constant 0 : i32
    %select_n3A = arith.select %eq3A_14, %jit3A, %jit3A_15 : i32
    %while3A = arith.constant 0 : i32
    %while3A_16 = arith.constant 0 : i32
    "tpu.trace_start"() <{level = 10 : i32, message = "agg_edges"}> : () -> ()
    %while3A_17 = arith.subi %select_n3A, %while3A : i32
    %while3A_18 = arith.addi %while3A, %while3A_17 : i32
    %while3A_19 = arith.constant 1 : i32
    %while3A_20 = arith.divsi %while3A_17, %while3A_19 : i32
    %while3A_21 = arith.muli %while3A_20, %while3A_19 : i32
    %while3A_22 = arith.addi %while3A, %while3A_21 : i32
    %while3A_23 = arith.constant 1 : i32
    %while3A_24 = scf.for %while3A_37 = %while3A to %while3A_22 step %while3A_23 iter_args(%while3A_38 = %while3A_16) -> (i32)  : i32 {
      %mul3A_39 = arith.constant 40 : i32
      %mul3A_40 = arith.muli %while3A_37, %mul3A_39 : i32
      %add3A_41 = arith.addi %mul3A_13, %mul3A_40 : i32
      "tpu.region"() ({
        %run_scoped3A = tpu.sem_alloc : memref<!tpu.dma_semaphore, #tpu.memory_space<semaphore_mem>>
        %dma_start3A_104 = arith.constant 0 : i32
        %dma_start3A_105 = tpu.memref_slice %arg2[%add3A_41, %dma_start3A_104] : memref<2560x128xi32, #tpu.memory_space<hbm>> -> memref<40x128xi32, #tpu.memory_space<hbm>>
        %dma_start3A_106 = arith.constant 0 : i32
        %dma_start3A_107 = tpu.memref_slice %arg2[%add3A_41, %dma_start3A_106] : memref<2560x128xi32, #tpu.memory_space<hbm>> -> memref<40x128xi32, #tpu.memory_space<hbm>>
        tpu.enqueue_dma source(%dma_start3A_107 : memref<40x128xi32, #tpu.memory_space<hbm>>) target(%arg6 : memref<40x128xi32, #tpu.memory_space<vmem>>) target_semaphore(%run_scoped3A : memref<!tpu.dma_semaphore, #tpu.memory_space<semaphore_mem>>)
        %dma_wait3A_108 = arith.constant 0 : i32
        %dma_wait3A_109 = tpu.memref_slice %arg2[%add3A_41, %dma_wait3A_108] : memref<2560x128xi32, #tpu.memory_space<hbm>> -> memref<40x128xi32, #tpu.memory_space<hbm>>
        %dma_wait3A_110 = arith.constant 0 : i32
        %dma_wait3A_111 = tpu.memref_slice %arg2[%add3A_41, %dma_wait3A_110] : memref<2560x128xi32, #tpu.memory_space<hbm>> -> memref<40x128xi32, #tpu.memory_space<hbm>>
        tpu.wait_dma2 semaphore(%run_scoped3A : memref<!tpu.dma_semaphore, #tpu.memory_space<semaphore_mem>>) src(%dma_wait3A_111 : memref<40x128xi32, #tpu.memory_space<hbm>>) dst(%arg6 : memref<40x128xi32, #tpu.memory_space<vmem>>)
        tpu.yield
      }) : () -> ()
      "tpu.region"() ({
        %run_scoped3A = tpu.sem_alloc : memref<!tpu.dma_semaphore, #tpu.memory_space<semaphore_mem>>
        %dma_start3A_104 = arith.constant 0 : i32
        %dma_start3A_105 = tpu.memref_slice %arg3[%add3A_41, %dma_start3A_104] : memref<2560x128xi32, #tpu.memory_space<hbm>> -> memref<40x128xi32, #tpu.memory_space<hbm>>
        %dma_start3A_106 = arith.constant 0 : i32
        %dma_start3A_107 = tpu.memref_slice %arg3[%add3A_41, %dma_start3A_106] : memref<2560x128xi32, #tpu.memory_space<hbm>> -> memref<40x128xi32, #tpu.memory_space<hbm>>
        tpu.enqueue_dma source(%dma_start3A_107 : memref<40x128xi32, #tpu.memory_space<hbm>>) target(%arg7 : memref<40x128xi32, #tpu.memory_space<vmem>>) target_semaphore(%run_scoped3A : memref<!tpu.dma_semaphore, #tpu.memory_space<semaphore_mem>>)
        %dma_wait3A_108 = arith.constant 0 : i32
        %dma_wait3A_109 = tpu.memref_slice %arg3[%add3A_41, %dma_wait3A_108] : memref<2560x128xi32, #tpu.memory_space<hbm>> -> memref<40x128xi32, #tpu.memory_space<hbm>>
        %dma_wait3A_110 = arith.constant 0 : i32
        %dma_wait3A_111 = tpu.memref_slice %arg3[%add3A_41, %dma_wait3A_110] : memref<2560x128xi32, #tpu.memory_space<hbm>> -> memref<40x128xi32, #tpu.memory_space<hbm>>
        tpu.wait_dma2 semaphore(%run_scoped3A : memref<!tpu.dma_semaphore, #tpu.memory_space<semaphore_mem>>) src(%dma_wait3A_111 : memref<40x128xi32, #tpu.memory_space<hbm>>) dst(%arg7 : memref<40x128xi32, #tpu.memory_space<vmem>>)
        tpu.yield
      }) : () -> ()
      %dma_start3A = arith.constant 0 : i32
      %dma_start3A_42 = arith.constant 0 : i32
      %dma_start3A_43 = tpu.memref_slice %arg6[%dma_start3A, %dma_start3A_42] : memref<40x128xi32, #tpu.memory_space<vmem>> -> memref<1x128xi32, #tpu.memory_space<vmem>>
      %dma_start3A_44 = tpu.memref_squeeze %dma_start3A_43 : memref<1x128xi32, #tpu.memory_space<vmem>> -> memref<128xi32, #tpu.memory_space<vmem>>
      %dma_start3A_45 = arith.constant 0 : i32
      %dma_start3A_46 = arith.constant 0 : i32
      %dma_start3A_47 = tpu.memref_slice %arg4[%dma_start3A_45, %dma_start3A_46] : memref<10000x128xf32, #tpu.memory_space<hbm>> -> memref<10000x128xf32, #tpu.memory_space<hbm>>
      tpu.enqueue_indirect_dma source(%dma_start3A_47 : memref<10000x128xf32, #tpu.memory_space<hbm>>) target(%arg8 : memref<128x128xf32, #tpu.memory_space<vmem>>) offsets(%dma_start3A_44 : memref<128xi32, #tpu.memory_space<vmem>>) semaphore(%arg12 : memref<!tpu.dma_semaphore, #tpu.memory_space<semaphore_mem>>)
      %dma_wait3A = arith.constant 0 : i32
      %dma_wait3A_48 = arith.constant 0 : i32
      %dma_wait3A_49 = tpu.memref_slice %arg6[%dma_wait3A, %dma_wait3A_48] : memref<40x128xi32, #tpu.memory_space<vmem>> -> memref<1x128xi32, #tpu.memory_space<vmem>>
      %dma_wait3A_50 = tpu.memref_squeeze %dma_wait3A_49 : memref<1x128xi32, #tpu.memory_space<vmem>> -> memref<128xi32, #tpu.memory_space<vmem>>
      %dma_wait3A_51 = arith.constant 0 : i32
      %dma_wait3A_52 = arith.constant 0 : i32
      %dma_wait3A_53 = tpu.memref_slice %arg4[%dma_wait3A_51, %dma_wait3A_52] : memref<10000x128xf32, #tpu.memory_space<hbm>> -> memref<10000x128xf32, #tpu.memory_space<hbm>>
      tpu.wait_indirect_dma semaphore(%arg12 : memref<!tpu.dma_semaphore, #tpu.memory_space<semaphore_mem>>) src(%dma_wait3A_53 : memref<10000x128xf32, #tpu.memory_space<hbm>>) dst(%arg8 : memref<128x128xf32, #tpu.memory_space<vmem>>)
      %dma_start3A_54 = arith.constant 1 : i32
      %dma_start3A_55 = arith.constant 0 : i32
      %dma_start3A_56 = tpu.memref_slice %arg6[%dma_start3A_54, %dma_start3A_55] : memref<40x128xi32, #tpu.memory_space<vmem>> -> memref<1x128xi32, #tpu.memory_space<vmem>>
      %dma_start3A_57 = tpu.memref_squeeze %dma_start3A_56 : memref<1x128xi32, #tpu.memory_space<vmem>> -> memref<128xi32, #tpu.memory_space<vmem>>
      %dma_start3A_58 = arith.constant 0 : i32
      %dma_start3A_59 = arith.constant 0 : i32
      %dma_start3A_60 = tpu.memref_slice %arg4[%dma_start3A_58, %dma_start3A_59] : memref<10000x128xf32, #tpu.memory_space<hbm>> -> memref<10000x128xf32, #tpu.memory_space<hbm>>
      tpu.enqueue_indirect_dma source(%dma_start3A_60 : memref<10000x128xf32, #tpu.memory_space<hbm>>) target(%arg9 : memref<128x128xf32, #tpu.memory_space<vmem>>) offsets(%dma_start3A_57 : memref<128xi32, #tpu.memory_space<vmem>>) semaphore(%arg13 : memref<!tpu.dma_semaphore, #tpu.memory_space<semaphore_mem>>)
      %dma_start3A_61 = arith.constant 0 : i32
      %dma_start3A_62 = arith.constant 0 : i32
      %dma_start3A_63 = tpu.memref_slice %arg7[%dma_start3A_61, %dma_start3A_62] : memref<40x128xi32, #tpu.memory_space<vmem>> -> memref<1x128xi32, #tpu.memory_space<vmem>>
      %dma_start3A_64 = tpu.memref_squeeze %dma_start3A_63 : memref<1x128xi32, #tpu.memory_space<vmem>> -> memref<128xi32, #tpu.memory_space<vmem>>
      %dma_start3A_65 = arith.constant 0 : i32
      %dma_start3A_66 = arith.constant 0 : i32
      %dma_start3A_67 = tpu.memref_slice %arg11[%dma_start3A_65, %dma_start3A_66] : memref<10240x128xf32, #tpu.memory_space<vmem_shared>> -> memref<10240x128xf32, #tpu.memory_space<vmem_shared>>
      tpu.enqueue_indirect_dma source(%arg8 : memref<128x128xf32, #tpu.memory_space<vmem>>) target(%dma_start3A_67 : memref<10240x128xf32, #tpu.memory_space<vmem_shared>>) offsets(%dma_start3A_64 : memref<128xi32, #tpu.memory_space<vmem>>) semaphore(%arg14 : memref<!tpu.dma_semaphore, #tpu.memory_space<semaphore_mem>>) {add = true}
      %scan3A_68 = arith.constant 0 : i32
      %scan3A_69 = arith.constant 1 : i32
      %scan3A_70 = arith.constant 19 : i32
      %scan3A_71 = arith.addi %scan3A_69, %scan3A_70 : i32
      %scan3A_72 = arith.constant 1 : i32
      %scan3A_73 = scf.for %scan3A_104 = %scan3A_69 to %scan3A_71 step %scan3A_72 iter_args(%scan3A_105 = %scan3A_68) -> (i32)  : i32 {
        %dma_wait3A_106 = arith.constant 0 : i32
        %dma_wait3A_107 = arith.constant 0 : i32
        %dma_wait3A_108 = tpu.memref_slice %arg6[%dma_wait3A_106, %dma_wait3A_107] : memref<40x128xi32, #tpu.memory_space<vmem>> -> memref<1x128xi32, #tpu.memory_space<vmem>>
        %dma_wait3A_109 = tpu.memref_squeeze %dma_wait3A_108 : memref<1x128xi32, #tpu.memory_space<vmem>> -> memref<128xi32, #tpu.memory_space<vmem>>
        %dma_wait3A_110 = arith.constant 0 : i32
        %dma_wait3A_111 = arith.constant 0 : i32
        %dma_wait3A_112 = tpu.memref_slice %arg4[%dma_wait3A_110, %dma_wait3A_111] : memref<10000x128xf32, #tpu.memory_space<hbm>> -> memref<10000x128xf32, #tpu.memory_space<hbm>>
        tpu.wait_indirect_dma semaphore(%arg13 : memref<!tpu.dma_semaphore, #tpu.memory_space<semaphore_mem>>) src(%dma_wait3A_112 : memref<10000x128xf32, #tpu.memory_space<hbm>>) dst(%arg9 : memref<128x128xf32, #tpu.memory_space<vmem>>)
        %dma_wait3A_113 = arith.constant 0 : i32
        %dma_wait3A_114 = arith.constant 0 : i32
        %dma_wait3A_115 = tpu.memref_slice %arg7[%dma_wait3A_113, %dma_wait3A_114] : memref<40x128xi32, #tpu.memory_space<vmem>> -> memref<1x128xi32, #tpu.memory_space<vmem>>
        %dma_wait3A_116 = tpu.memref_squeeze %dma_wait3A_115 : memref<1x128xi32, #tpu.memory_space<vmem>> -> memref<128xi32, #tpu.memory_space<vmem>>
        %dma_wait3A_117 = arith.constant 0 : i32
        %dma_wait3A_118 = arith.constant 0 : i32
        %dma_wait3A_119 = tpu.memref_slice %arg11[%dma_wait3A_117, %dma_wait3A_118] : memref<10240x128xf32, #tpu.memory_space<vmem_shared>> -> memref<10240x128xf32, #tpu.memory_space<vmem_shared>>
        tpu.wait_indirect_dma semaphore(%arg14 : memref<!tpu.dma_semaphore, #tpu.memory_space<semaphore_mem>>) src(%arg8 : memref<128x128xf32, #tpu.memory_space<vmem>>) dst(%dma_wait3A_119 : memref<10240x128xf32, #tpu.memory_space<vmem_shared>>)
        %mul3A_120 = arith.constant 2 : i32
        %mul3A_121 = arith.muli %mul3A_120, %scan3A_104 : i32
        %dma_start3A_122 = arith.constant 0 : i32
        %dma_start3A_123 = tpu.memref_slice %arg6[%mul3A_121, %dma_start3A_122] : memref<40x128xi32, #tpu.memory_space<vmem>> -> memref<1x128xi32, #tpu.memory_space<vmem>>
        %dma_start3A_124 = tpu.memref_squeeze %dma_start3A_123 : memref<1x128xi32, #tpu.memory_space<vmem>> -> memref<128xi32, #tpu.memory_space<vmem>>
        %dma_start3A_125 = arith.constant 0 : i32
        %dma_start3A_126 = arith.constant 0 : i32
        %dma_start3A_127 = tpu.memref_slice %arg4[%dma_start3A_125, %dma_start3A_126] : memref<10000x128xf32, #tpu.memory_space<hbm>> -> memref<10000x128xf32, #tpu.memory_space<hbm>>
        tpu.enqueue_indirect_dma source(%dma_start3A_127 : memref<10000x128xf32, #tpu.memory_space<hbm>>) target(%arg8 : memref<128x128xf32, #tpu.memory_space<vmem>>) offsets(%dma_start3A_124 : memref<128xi32, #tpu.memory_space<vmem>>) semaphore(%arg12 : memref<!tpu.dma_semaphore, #tpu.memory_space<semaphore_mem>>)
        %mul3A_128 = arith.constant 2 : i32
        %mul3A_129 = arith.muli %mul3A_128, %scan3A_104 : i32
        %sub3A = arith.constant 1 : i32
        %sub3A_130 = arith.subi %mul3A_129, %sub3A : i32
        %dma_start3A_131 = arith.constant 0 : i32
        %dma_start3A_132 = tpu.memref_slice %arg7[%sub3A_130, %dma_start3A_131] : memref<40x128xi32, #tpu.memory_space<vmem>> -> memref<1x128xi32, #tpu.memory_space<vmem>>
        %dma_start3A_133 = tpu.memref_squeeze %dma_start3A_132 : memref<1x128xi32, #tpu.memory_space<vmem>> -> memref<128xi32, #tpu.memory_space<vmem>>
        %dma_start3A_134 = arith.constant 0 : i32
        %dma_start3A_135 = arith.constant 0 : i32
        %dma_start3A_136 = tpu.memref_slice %arg11[%dma_start3A_134, %dma_start3A_135] : memref<10240x128xf32, #tpu.memory_space<vmem_shared>> -> memref<10240x128xf32, #tpu.memory_space<vmem_shared>>
        tpu.enqueue_indirect_dma source(%arg9 : memref<128x128xf32, #tpu.memory_space<vmem>>) target(%dma_start3A_136 : memref<10240x128xf32, #tpu.memory_space<vmem_shared>>) offsets(%dma_start3A_133 : memref<128xi32, #tpu.memory_space<vmem>>) semaphore(%arg15 : memref<!tpu.dma_semaphore, #tpu.memory_space<semaphore_mem>>) {add = true}
        %dma_wait3A_137 = arith.constant 0 : i32
        %dma_wait3A_138 = arith.constant 0 : i32
        %dma_wait3A_139 = tpu.memref_slice %arg6[%dma_wait3A_137, %dma_wait3A_138] : memref<40x128xi32, #tpu.memory_space<vmem>> -> memref<1x128xi32, #tpu.memory_space<vmem>>
        %dma_wait3A_140 = tpu.memref_squeeze %dma_wait3A_139 : memref<1x128xi32, #tpu.memory_space<vmem>> -> memref<128xi32, #tpu.memory_space<vmem>>
        %dma_wait3A_141 = arith.constant 0 : i32
        %dma_wait3A_142 = arith.constant 0 : i32
        %dma_wait3A_143 = tpu.memref_slice %arg4[%dma_wait3A_141, %dma_wait3A_142] : memref<10000x128xf32, #tpu.memory_space<hbm>> -> memref<10000x128xf32, #tpu.memory_space<hbm>>
        tpu.wait_indirect_dma semaphore(%arg12 : memref<!tpu.dma_semaphore, #tpu.memory_space<semaphore_mem>>) src(%dma_wait3A_143 : memref<10000x128xf32, #tpu.memory_space<hbm>>) dst(%arg8 : memref<128x128xf32, #tpu.memory_space<vmem>>)
        %dma_wait3A_144 = arith.constant 0 : i32
        %dma_wait3A_145 = arith.constant 0 : i32
        %dma_wait3A_146 = tpu.memref_slice %arg7[%dma_wait3A_144, %dma_wait3A_145] : memref<40x128xi32, #tpu.memory_space<vmem>> -> memref<1x128xi32, #tpu.memory_space<vmem>>
        %dma_wait3A_147 = tpu.memref_squeeze %dma_wait3A_146 : memref<1x128xi32, #tpu.memory_space<vmem>> -> memref<128xi32, #tpu.memory_space<vmem>>
        %dma_wait3A_148 = arith.constant 0 : i32
        %dma_wait3A_149 = arith.constant 0 : i32
        %dma_wait3A_150 = tpu.memref_slice %arg11[%dma_wait3A_148, %dma_wait3A_149] : memref<10240x128xf32, #tpu.memory_space<vmem_shared>> -> memref<10240x128xf32, #tpu.memory_space<vmem_shared>>
        tpu.wait_indirect_dma semaphore(%arg15 : memref<!tpu.dma_semaphore, #tpu.memory_space<semaphore_mem>>) src(%arg9 : memref<128x128xf32, #tpu.memory_space<vmem>>) dst(%dma_wait3A_150 : memref<10240x128xf32, #tpu.memory_space<vmem_shared>>)
        %mul3A_151 = arith.constant 2 : i32
        %mul3A_152 = arith.muli %mul3A_151, %scan3A_104 : i32
        %add3A_153 = arith.constant 1 : i32
        %add3A_154 = arith.addi %mul3A_152, %add3A_153 : i32
        %dma_start3A_155 = arith.constant 0 : i32
        %dma_start3A_156 = tpu.memref_slice %arg6[%add3A_154, %dma_start3A_155] : memref<40x128xi32, #tpu.memory_space<vmem>> -> memref<1x128xi32, #tpu.memory_space<vmem>>
        %dma_start3A_157 = tpu.memref_squeeze %dma_start3A_156 : memref<1x128xi32, #tpu.memory_space<vmem>> -> memref<128xi32, #tpu.memory_space<vmem>>
        %dma_start3A_158 = arith.constant 0 : i32
        %dma_start3A_159 = arith.constant 0 : i32
        %dma_start3A_160 = tpu.memref_slice %arg4[%dma_start3A_158, %dma_start3A_159] : memref<10000x128xf32, #tpu.memory_space<hbm>> -> memref<10000x128xf32, #tpu.memory_space<hbm>>
        tpu.enqueue_indirect_dma source(%dma_start3A_160 : memref<10000x128xf32, #tpu.memory_space<hbm>>) target(%arg9 : memref<128x128xf32, #tpu.memory_space<vmem>>) offsets(%dma_start3A_157 : memref<128xi32, #tpu.memory_space<vmem>>) semaphore(%arg13 : memref<!tpu.dma_semaphore, #tpu.memory_space<semaphore_mem>>)
        %mul3A_161 = arith.constant 2 : i32
        %mul3A_162 = arith.muli %mul3A_161, %scan3A_104 : i32
        %dma_start3A_163 = arith.constant 0 : i32
        %dma_start3A_164 = tpu.memref_slice %arg7[%mul3A_162, %dma_start3A_163] : memref<40x128xi32, #tpu.memory_space<vmem>> -> memref<1x128xi32, #tpu.memory_space<vmem>>
        %dma_start3A_165 = tpu.memref_squeeze %dma_start3A_164 : memref<1x128xi32, #tpu.memory_space<vmem>> -> memref<128xi32, #tpu.memory_space<vmem>>
        %dma_start3A_166 = arith.constant 0 : i32
        %dma_start3A_167 = arith.constant 0 : i32
        %dma_start3A_168 = tpu.memref_slice %arg11[%dma_start3A_166, %dma_start3A_167] : memref<10240x128xf32, #tpu.memory_space<vmem_shared>> -> memref<10240x128xf32, #tpu.memory_space<vmem_shared>>
        tpu.enqueue_indirect_dma source(%arg8 : memref<128x128xf32, #tpu.memory_space<vmem>>) target(%dma_start3A_168 : memref<10240x128xf32, #tpu.memory_space<vmem_shared>>) offsets(%dma_start3A_165 : memref<128xi32, #tpu.memory_space<vmem>>) semaphore(%arg14 : memref<!tpu.dma_semaphore, #tpu.memory_space<semaphore_mem>>) {add = true}
        %scan3A_169 = arith.constant 0 : i32
        scf.yield %scan3A_169 : i32
      }
      %scan3A_74 = arith.constant 19 : i32
      %dma_wait3A_75 = arith.constant 0 : i32
      %dma_wait3A_76 = arith.constant 0 : i32
      %dma_wait3A_77 = tpu.memref_slice %arg6[%dma_wait3A_75, %dma_wait3A_76] : memref<40x128xi32, #tpu.memory_space<vmem>> -> memref<1x128xi32, #tpu.memory_space<vmem>>
      %dma_wait3A_78 = tpu.memref_squeeze %dma_wait3A_77 : memref<1x128xi32, #tpu.memory_space<vmem>> -> memref<128xi32, #tpu.memory_space<vmem>>
      %dma_wait3A_79 = arith.constant 0 : i32
      %dma_wait3A_80 = arith.constant 0 : i32
      %dma_wait3A_81 = tpu.memref_slice %arg4[%dma_wait3A_79, %dma_wait3A_80] : memref<10000x128xf32, #tpu.memory_space<hbm>> -> memref<10000x128xf32, #tpu.memory_space<hbm>>
      tpu.wait_indirect_dma semaphore(%arg13 : memref<!tpu.dma_semaphore, #tpu.memory_space<semaphore_mem>>) src(%dma_wait3A_81 : memref<10000x128xf32, #tpu.memory_space<hbm>>) dst(%arg9 : memref<128x128xf32, #tpu.memory_space<vmem>>)
      %dma_wait3A_82 = arith.constant 0 : i32
      %dma_wait3A_83 = arith.constant 0 : i32
      %dma_wait3A_84 = tpu.memref_slice %arg7[%dma_wait3A_82, %dma_wait3A_83] : memref<40x128xi32, #tpu.memory_space<vmem>> -> memref<1x128xi32, #tpu.memory_space<vmem>>
      %dma_wait3A_85 = tpu.memref_squeeze %dma_wait3A_84 : memref<1x128xi32, #tpu.memory_space<vmem>> -> memref<128xi32, #tpu.memory_space<vmem>>
      %dma_wait3A_86 = arith.constant 0 : i32
      %dma_wait3A_87 = arith.constant 0 : i32
      %dma_wait3A_88 = tpu.memref_slice %arg11[%dma_wait3A_86, %dma_wait3A_87] : memref<10240x128xf32, #tpu.memory_space<vmem_shared>> -> memref<10240x128xf32, #tpu.memory_space<vmem_shared>>
      tpu.wait_indirect_dma semaphore(%arg14 : memref<!tpu.dma_semaphore, #tpu.memory_space<semaphore_mem>>) src(%arg8 : memref<128x128xf32, #tpu.memory_space<vmem>>) dst(%dma_wait3A_88 : memref<10240x128xf32, #tpu.memory_space<vmem_shared>>)
      %dma_start3A_89 = arith.constant 39 : i32
      %dma_start3A_90 = arith.constant 0 : i32
      %dma_start3A_91 = tpu.memref_slice %arg7[%dma_start3A_89, %dma_start3A_90] : memref<40x128xi32, #tpu.memory_space<vmem>> -> memref<1x128xi32, #tpu.memory_space<vmem>>
      %dma_start3A_92 = tpu.memref_squeeze %dma_start3A_91 : memref<1x128xi32, #tpu.memory_space<vmem>> -> memref<128xi32, #tpu.memory_space<vmem>>
      %dma_start3A_93 = arith.constant 0 : i32
      %dma_start3A_94 = arith.constant 0 : i32
      %dma_start3A_95 = tpu.memref_slice %arg11[%dma_start3A_93, %dma_start3A_94] : memref<10240x128xf32, #tpu.memory_space<vmem_shared>> -> memref<10240x128xf32, #tpu.memory_space<vmem_shared>>
      tpu.enqueue_indirect_dma source(%arg9 : memref<128x128xf32, #tpu.memory_space<vmem>>) target(%dma_start3A_95 : memref<10240x128xf32, #tpu.memory_space<vmem_shared>>) offsets(%dma_start3A_92 : memref<128xi32, #tpu.memory_space<vmem>>) semaphore(%arg15 : memref<!tpu.dma_semaphore, #tpu.memory_space<semaphore_mem>>) {add = true}
      %dma_wait3A_96 = arith.constant 39 : i32
      %dma_wait3A_97 = arith.constant 0 : i32
      %dma_wait3A_98 = tpu.memref_slice %arg7[%dma_wait3A_96, %dma_wait3A_97] : memref<40x128xi32, #tpu.memory_space<vmem>> -> memref<1x128xi32, #tpu.memory_space<vmem>>
      %dma_wait3A_99 = tpu.memref_squeeze %dma_wait3A_98 : memref<1x128xi32, #tpu.memory_space<vmem>> -> memref<128xi32, #tpu.memory_space<vmem>>
      %dma_wait3A_100 = arith.constant 0 : i32
      %dma_wait3A_101 = arith.constant 0 : i32
      %dma_wait3A_102 = tpu.memref_slice %arg11[%dma_wait3A_100, %dma_wait3A_101] : memref<10240x128xf32, #tpu.memory_space<vmem_shared>> -> memref<10240x128xf32, #tpu.memory_space<vmem_shared>>
      tpu.wait_indirect_dma semaphore(%arg15 : memref<!tpu.dma_semaphore, #tpu.memory_space<semaphore_mem>>) src(%arg9 : memref<128x128xf32, #tpu.memory_space<vmem>>) dst(%dma_wait3A_102 : memref<10240x128xf32, #tpu.memory_space<vmem_shared>>)
      %while3A_103 = arith.constant 0 : i32
      scf.yield %while3A_103 : i32
    }
    %while3A_25 = arith.constant 1 : i32
    %while3A_26 = scf.for %while3A_37 = %while3A_22 to %while3A_18 step %while3A_25 iter_args(%while3A_38 = %while3A_24) -> (i32)  : i32 {
      %mul3A_39 = arith.constant 40 : i32
      %mul3A_40 = arith.muli %while3A_37, %mul3A_39 : i32
      %add3A_41 = arith.addi %mul3A_13, %mul3A_40 : i32
      "tpu.region"() ({
        %run_scoped3A = tpu.sem_alloc : memref<!tpu.dma_semaphore, #tpu.memory_space<semaphore_mem>>
        %dma_start3A_104 = arith.constant 0 : i32
        %dma_start3A_105 = tpu.memref_slice %arg2[%add3A_41, %dma_start3A_104] : memref<2560x128xi32, #tpu.memory_space<hbm>> -> memref<40x128xi32, #tpu.memory_space<hbm>>
        %dma_start3A_106 = arith.constant 0 : i32
        %dma_start3A_107 = tpu.memref_slice %arg2[%add3A_41, %dma_start3A_106] : memref<2560x128xi32, #tpu.memory_space<hbm>> -> memref<40x128xi32, #tpu.memory_space<hbm>>
        tpu.enqueue_dma source(%dma_start3A_107 : memref<40x128xi32, #tpu.memory_space<hbm>>) target(%arg6 : memref<40x128xi32, #tpu.memory_space<vmem>>) target_semaphore(%run_scoped3A : memref<!tpu.dma_semaphore, #tpu.memory_space<semaphore_mem>>)
        %dma_wait3A_108 = arith.constant 0 : i32
        %dma_wait3A_109 = tpu.memref_slice %arg2[%add3A_41, %dma_wait3A_108] : memref<2560x128xi32, #tpu.memory_space<hbm>> -> memref<40x128xi32, #tpu.memory_space<hbm>>
        %dma_wait3A_110 = arith.constant 0 : i32
        %dma_wait3A_111 = tpu.memref_slice %arg2[%add3A_41, %dma_wait3A_110] : memref<2560x128xi32, #tpu.memory_space<hbm>> -> memref<40x128xi32, #tpu.memory_space<hbm>>
        tpu.wait_dma2 semaphore(%run_scoped3A : memref<!tpu.dma_semaphore, #tpu.memory_space<semaphore_mem>>) src(%dma_wait3A_111 : memref<40x128xi32, #tpu.memory_space<hbm>>) dst(%arg6 : memref<40x128xi32, #tpu.memory_space<vmem>>)
        tpu.yield
      }) : () -> ()
      "tpu.region"() ({
        %run_scoped3A = tpu.sem_alloc : memref<!tpu.dma_semaphore, #tpu.memory_space<semaphore_mem>>
        %dma_start3A_104 = arith.constant 0 : i32
        %dma_start3A_105 = tpu.memref_slice %arg3[%add3A_41, %dma_start3A_104] : memref<2560x128xi32, #tpu.memory_space<hbm>> -> memref<40x128xi32, #tpu.memory_space<hbm>>
        %dma_start3A_106 = arith.constant 0 : i32
        %dma_start3A_107 = tpu.memref_slice %arg3[%add3A_41, %dma_start3A_106] : memref<2560x128xi32, #tpu.memory_space<hbm>> -> memref<40x128xi32, #tpu.memory_space<hbm>>
        tpu.enqueue_dma source(%dma_start3A_107 : memref<40x128xi32, #tpu.memory_space<hbm>>) target(%arg7 : memref<40x128xi32, #tpu.memory_space<vmem>>) target_semaphore(%run_scoped3A : memref<!tpu.dma_semaphore, #tpu.memory_space<semaphore_mem>>)
        %dma_wait3A_108 = arith.constant 0 : i32
        %dma_wait3A_109 = tpu.memref_slice %arg3[%add3A_41, %dma_wait3A_108] : memref<2560x128xi32, #tpu.memory_space<hbm>> -> memref<40x128xi32, #tpu.memory_space<hbm>>
        %dma_wait3A_110 = arith.constant 0 : i32
        %dma_wait3A_111 = tpu.memref_slice %arg3[%add3A_41, %dma_wait3A_110] : memref<2560x128xi32, #tpu.memory_space<hbm>> -> memref<40x128xi32, #tpu.memory_space<hbm>>
        tpu.wait_dma2 semaphore(%run_scoped3A : memref<!tpu.dma_semaphore, #tpu.memory_space<semaphore_mem>>) src(%dma_wait3A_111 : memref<40x128xi32, #tpu.memory_space<hbm>>) dst(%arg7 : memref<40x128xi32, #tpu.memory_space<vmem>>)
        tpu.yield
      }) : () -> ()
      %dma_start3A = arith.constant 0 : i32
      %dma_start3A_42 = arith.constant 0 : i32
      %dma_start3A_43 = tpu.memref_slice %arg6[%dma_start3A, %dma_start3A_42] : memref<40x128xi32, #tpu.memory_space<vmem>> -> memref<1x128xi32, #tpu.memory_space<vmem>>
      %dma_start3A_44 = tpu.memref_squeeze %dma_start3A_43 : memref<1x128xi32, #tpu.memory_space<vmem>> -> memref<128xi32, #tpu.memory_space<vmem>>
      %dma_start3A_45 = arith.constant 0 : i32
      %dma_start3A_46 = arith.constant 0 : i32
      %dma_start3A_47 = tpu.memref_slice %arg4[%dma_start3A_45, %dma_start3A_46] : memref<10000x128xf32, #tpu.memory_space<hbm>> -> memref<10000x128xf32, #tpu.memory_space<hbm>>
      tpu.enqueue_indirect_dma source(%dma_start3A_47 : memref<10000x128xf32, #tpu.memory_space<hbm>>) target(%arg8 : memref<128x128xf32, #tpu.memory_space<vmem>>) offsets(%dma_start3A_44 : memref<128xi32, #tpu.memory_space<vmem>>) semaphore(%arg12 : memref<!tpu.dma_semaphore, #tpu.memory_space<semaphore_mem>>)
      %dma_wait3A = arith.constant 0 : i32
      %dma_wait3A_48 = arith.constant 0 : i32
      %dma_wait3A_49 = tpu.memref_slice %arg6[%dma_wait3A, %dma_wait3A_48] : memref<40x128xi32, #tpu.memory_space<vmem>> -> memref<1x128xi32, #tpu.memory_space<vmem>>
      %dma_wait3A_50 = tpu.memref_squeeze %dma_wait3A_49 : memref<1x128xi32, #tpu.memory_space<vmem>> -> memref<128xi32, #tpu.memory_space<vmem>>
      %dma_wait3A_51 = arith.constant 0 : i32
      %dma_wait3A_52 = arith.constant 0 : i32
      %dma_wait3A_53 = tpu.memref_slice %arg4[%dma_wait3A_51, %dma_wait3A_52] : memref<10000x128xf32, #tpu.memory_space<hbm>> -> memref<10000x128xf32, #tpu.memory_space<hbm>>
      tpu.wait_indirect_dma semaphore(%arg12 : memref<!tpu.dma_semaphore, #tpu.memory_space<semaphore_mem>>) src(%dma_wait3A_53 : memref<10000x128xf32, #tpu.memory_space<hbm>>) dst(%arg8 : memref<128x128xf32, #tpu.memory_space<vmem>>)
      %dma_start3A_54 = arith.constant 1 : i32
      %dma_start3A_55 = arith.constant 0 : i32
      %dma_start3A_56 = tpu.memref_slice %arg6[%dma_start3A_54, %dma_start3A_55] : memref<40x128xi32, #tpu.memory_space<vmem>> -> memref<1x128xi32, #tpu.memory_space<vmem>>
      %dma_start3A_57 = tpu.memref_squeeze %dma_start3A_56 : memref<1x128xi32, #tpu.memory_space<vmem>> -> memref<128xi32, #tpu.memory_space<vmem>>
      %dma_start3A_58 = arith.constant 0 : i32
      %dma_start3A_59 = arith.constant 0 : i32
      %dma_start3A_60 = tpu.memref_slice %arg4[%dma_start3A_58, %dma_start3A_59] : memref<10000x128xf32, #tpu.memory_space<hbm>> -> memref<10000x128xf32, #tpu.memory_space<hbm>>
      tpu.enqueue_indirect_dma source(%dma_start3A_60 : memref<10000x128xf32, #tpu.memory_space<hbm>>) target(%arg9 : memref<128x128xf32, #tpu.memory_space<vmem>>) offsets(%dma_start3A_57 : memref<128xi32, #tpu.memory_space<vmem>>) semaphore(%arg13 : memref<!tpu.dma_semaphore, #tpu.memory_space<semaphore_mem>>)
      %dma_start3A_61 = arith.constant 0 : i32
      %dma_start3A_62 = arith.constant 0 : i32
      %dma_start3A_63 = tpu.memref_slice %arg7[%dma_start3A_61, %dma_start3A_62] : memref<40x128xi32, #tpu.memory_space<vmem>> -> memref<1x128xi32, #tpu.memory_space<vmem>>
      %dma_start3A_64 = tpu.memref_squeeze %dma_start3A_63 : memref<1x128xi32, #tpu.memory_space<vmem>> -> memref<128xi32, #tpu.memory_space<vmem>>
      %dma_start3A_65 = arith.constant 0 : i32
      %dma_start3A_66 = arith.constant 0 : i32
      %dma_start3A_67 = tpu.memref_slice %arg11[%dma_start3A_65, %dma_start3A_66] : memref<10240x128xf32, #tpu.memory_space<vmem_shared>> -> memref<10240x128xf32, #tpu.memory_space<vmem_shared>>
      tpu.enqueue_indirect_dma source(%arg8 : memref<128x128xf32, #tpu.memory_space<vmem>>) target(%dma_start3A_67 : memref<10240x128xf32, #tpu.memory_space<vmem_shared>>) offsets(%dma_start3A_64 : memref<128xi32, #tpu.memory_space<vmem>>) semaphore(%arg14 : memref<!tpu.dma_semaphore, #tpu.memory_space<semaphore_mem>>) {add = true}
      %scan3A_68 = arith.constant 0 : i32
      %scan3A_69 = arith.constant 1 : i32
      %scan3A_70 = arith.constant 19 : i32
      %scan3A_71 = arith.addi %scan3A_69, %scan3A_70 : i32
      %scan3A_72 = arith.constant 1 : i32
      %scan3A_73 = scf.for %scan3A_104 = %scan3A_69 to %scan3A_71 step %scan3A_72 iter_args(%scan3A_105 = %scan3A_68) -> (i32)  : i32 {
        %dma_wait3A_106 = arith.constant 0 : i32
        %dma_wait3A_107 = arith.constant 0 : i32
        %dma_wait3A_108 = tpu.memref_slice %arg6[%dma_wait3A_106, %dma_wait3A_107] : memref<40x128xi32, #tpu.memory_space<vmem>> -> memref<1x128xi32, #tpu.memory_space<vmem>>
        %dma_wait3A_109 = tpu.memref_squeeze %dma_wait3A_108 : memref<1x128xi32, #tpu.memory_space<vmem>> -> memref<128xi32, #tpu.memory_space<vmem>>
        %dma_wait3A_110 = arith.constant 0 : i32
        %dma_wait3A_111 = arith.constant 0 : i32
        %dma_wait3A_112 = tpu.memref_slice %arg4[%dma_wait3A_110, %dma_wait3A_111] : memref<10000x128xf32, #tpu.memory_space<hbm>> -> memref<10000x128xf32, #tpu.memory_space<hbm>>
        tpu.wait_indirect_dma semaphore(%arg13 : memref<!tpu.dma_semaphore, #tpu.memory_space<semaphore_mem>>) src(%dma_wait3A_112 : memref<10000x128xf32, #tpu.memory_space<hbm>>) dst(%arg9 : memref<128x128xf32, #tpu.memory_space<vmem>>)
        %dma_wait3A_113 = arith.constant 0 : i32
        %dma_wait3A_114 = arith.constant 0 : i32
        %dma_wait3A_115 = tpu.memref_slice %arg7[%dma_wait3A_113, %dma_wait3A_114] : memref<40x128xi32, #tpu.memory_space<vmem>> -> memref<1x128xi32, #tpu.memory_space<vmem>>
        %dma_wait3A_116 = tpu.memref_squeeze %dma_wait3A_115 : memref<1x128xi32, #tpu.memory_space<vmem>> -> memref<128xi32, #tpu.memory_space<vmem>>
        %dma_wait3A_117 = arith.constant 0 : i32
        %dma_wait3A_118 = arith.constant 0 : i32
        %dma_wait3A_119 = tpu.memref_slice %arg11[%dma_wait3A_117, %dma_wait3A_118] : memref<10240x128xf32, #tpu.memory_space<vmem_shared>> -> memref<10240x128xf32, #tpu.memory_space<vmem_shared>>
        tpu.wait_indirect_dma semaphore(%arg14 : memref<!tpu.dma_semaphore, #tpu.memory_space<semaphore_mem>>) src(%arg8 : memref<128x128xf32, #tpu.memory_space<vmem>>) dst(%dma_wait3A_119 : memref<10240x128xf32, #tpu.memory_space<vmem_shared>>)
        %mul3A_120 = arith.constant 2 : i32
        %mul3A_121 = arith.muli %mul3A_120, %scan3A_104 : i32
        %dma_start3A_122 = arith.constant 0 : i32
        %dma_start3A_123 = tpu.memref_slice %arg6[%mul3A_121, %dma_start3A_122] : memref<40x128xi32, #tpu.memory_space<vmem>> -> memref<1x128xi32, #tpu.memory_space<vmem>>
        %dma_start3A_124 = tpu.memref_squeeze %dma_start3A_123 : memref<1x128xi32, #tpu.memory_space<vmem>> -> memref<128xi32, #tpu.memory_space<vmem>>
        %dma_start3A_125 = arith.constant 0 : i32
        %dma_start3A_126 = arith.constant 0 : i32
        %dma_start3A_127 = tpu.memref_slice %arg4[%dma_start3A_125, %dma_start3A_126] : memref<10000x128xf32, #tpu.memory_space<hbm>> -> memref<10000x128xf32, #tpu.memory_space<hbm>>
        tpu.enqueue_indirect_dma source(%dma_start3A_127 : memref<10000x128xf32, #tpu.memory_space<hbm>>) target(%arg8 : memref<128x128xf32, #tpu.memory_space<vmem>>) offsets(%dma_start3A_124 : memref<128xi32, #tpu.memory_space<vmem>>) semaphore(%arg12 : memref<!tpu.dma_semaphore, #tpu.memory_space<semaphore_mem>>)
        %mul3A_128 = arith.constant 2 : i32
        %mul3A_129 = arith.muli %mul3A_128, %scan3A_104 : i32
        %sub3A = arith.constant 1 : i32
        %sub3A_130 = arith.subi %mul3A_129, %sub3A : i32
        %dma_start3A_131 = arith.constant 0 : i32
        %dma_start3A_132 = tpu.memref_slice %arg7[%sub3A_130, %dma_start3A_131] : memref<40x128xi32, #tpu.memory_space<vmem>> -> memref<1x128xi32, #tpu.memory_space<vmem>>
        %dma_start3A_133 = tpu.memref_squeeze %dma_start3A_132 : memref<1x128xi32, #tpu.memory_space<vmem>> -> memref<128xi32, #tpu.memory_space<vmem>>
        %dma_start3A_134 = arith.constant 0 : i32
        %dma_start3A_135 = arith.constant 0 : i32
        %dma_start3A_136 = tpu.memref_slice %arg11[%dma_start3A_134, %dma_start3A_135] : memref<10240x128xf32, #tpu.memory_space<vmem_shared>> -> memref<10240x128xf32, #tpu.memory_space<vmem_shared>>
        tpu.enqueue_indirect_dma source(%arg9 : memref<128x128xf32, #tpu.memory_space<vmem>>) target(%dma_start3A_136 : memref<10240x128xf32, #tpu.memory_space<vmem_shared>>) offsets(%dma_start3A_133 : memref<128xi32, #tpu.memory_space<vmem>>) semaphore(%arg15 : memref<!tpu.dma_semaphore, #tpu.memory_space<semaphore_mem>>) {add = true}
        %dma_wait3A_137 = arith.constant 0 : i32
        %dma_wait3A_138 = arith.constant 0 : i32
        %dma_wait3A_139 = tpu.memref_slice %arg6[%dma_wait3A_137, %dma_wait3A_138] : memref<40x128xi32, #tpu.memory_space<vmem>> -> memref<1x128xi32, #tpu.memory_space<vmem>>
        %dma_wait3A_140 = tpu.memref_squeeze %dma_wait3A_139 : memref<1x128xi32, #tpu.memory_space<vmem>> -> memref<128xi32, #tpu.memory_space<vmem>>
        %dma_wait3A_141 = arith.constant 0 : i32
        %dma_wait3A_142 = arith.constant 0 : i32
        %dma_wait3A_143 = tpu.memref_slice %arg4[%dma_wait3A_141, %dma_wait3A_142] : memref<10000x128xf32, #tpu.memory_space<hbm>> -> memref<10000x128xf32, #tpu.memory_space<hbm>>
        tpu.wait_indirect_dma semaphore(%arg12 : memref<!tpu.dma_semaphore, #tpu.memory_space<semaphore_mem>>) src(%dma_wait3A_143 : memref<10000x128xf32, #tpu.memory_space<hbm>>) dst(%arg8 : memref<128x128xf32, #tpu.memory_space<vmem>>)
        %dma_wait3A_144 = arith.constant 0 : i32
        %dma_wait3A_145 = arith.constant 0 : i32
        %dma_wait3A_146 = tpu.memref_slice %arg7[%dma_wait3A_144, %dma_wait3A_145] : memref<40x128xi32, #tpu.memory_space<vmem>> -> memref<1x128xi32, #tpu.memory_space<vmem>>
        %dma_wait3A_147 = tpu.memref_squeeze %dma_wait3A_146 : memref<1x128xi32, #tpu.memory_space<vmem>> -> memref<128xi32, #tpu.memory_space<vmem>>
        %dma_wait3A_148 = arith.constant 0 : i32
        %dma_wait3A_149 = arith.constant 0 : i32
        %dma_wait3A_150 = tpu.memref_slice %arg11[%dma_wait3A_148, %dma_wait3A_149] : memref<10240x128xf32, #tpu.memory_space<vmem_shared>> -> memref<10240x128xf32, #tpu.memory_space<vmem_shared>>
        tpu.wait_indirect_dma semaphore(%arg15 : memref<!tpu.dma_semaphore, #tpu.memory_space<semaphore_mem>>) src(%arg9 : memref<128x128xf32, #tpu.memory_space<vmem>>) dst(%dma_wait3A_150 : memref<10240x128xf32, #tpu.memory_space<vmem_shared>>)
        %mul3A_151 = arith.constant 2 : i32
        %mul3A_152 = arith.muli %mul3A_151, %scan3A_104 : i32
        %add3A_153 = arith.constant 1 : i32
        %add3A_154 = arith.addi %mul3A_152, %add3A_153 : i32
        %dma_start3A_155 = arith.constant 0 : i32
        %dma_start3A_156 = tpu.memref_slice %arg6[%add3A_154, %dma_start3A_155] : memref<40x128xi32, #tpu.memory_space<vmem>> -> memref<1x128xi32, #tpu.memory_space<vmem>>
        %dma_start3A_157 = tpu.memref_squeeze %dma_start3A_156 : memref<1x128xi32, #tpu.memory_space<vmem>> -> memref<128xi32, #tpu.memory_space<vmem>>
        %dma_start3A_158 = arith.constant 0 : i32
        %dma_start3A_159 = arith.constant 0 : i32
        %dma_start3A_160 = tpu.memref_slice %arg4[%dma_start3A_158, %dma_start3A_159] : memref<10000x128xf32, #tpu.memory_space<hbm>> -> memref<10000x128xf32, #tpu.memory_space<hbm>>
        tpu.enqueue_indirect_dma source(%dma_start3A_160 : memref<10000x128xf32, #tpu.memory_space<hbm>>) target(%arg9 : memref<128x128xf32, #tpu.memory_space<vmem>>) offsets(%dma_start3A_157 : memref<128xi32, #tpu.memory_space<vmem>>) semaphore(%arg13 : memref<!tpu.dma_semaphore, #tpu.memory_space<semaphore_mem>>)
        %mul3A_161 = arith.constant 2 : i32
        %mul3A_162 = arith.muli %mul3A_161, %scan3A_104 : i32
        %dma_start3A_163 = arith.constant 0 : i32
        %dma_start3A_164 = tpu.memref_slice %arg7[%mul3A_162, %dma_start3A_163] : memref<40x128xi32, #tpu.memory_space<vmem>> -> memref<1x128xi32, #tpu.memory_space<vmem>>
        %dma_start3A_165 = tpu.memref_squeeze %dma_start3A_164 : memref<1x128xi32, #tpu.memory_space<vmem>> -> memref<128xi32, #tpu.memory_space<vmem>>
        %dma_start3A_166 = arith.constant 0 : i32
        %dma_start3A_167 = arith.constant 0 : i32
        %dma_start3A_168 = tpu.memref_slice %arg11[%dma_start3A_166, %dma_start3A_167] : memref<10240x128xf32, #tpu.memory_space<vmem_shared>> -> memref<10240x128xf32, #tpu.memory_space<vmem_shared>>
        tpu.enqueue_indirect_dma source(%arg8 : memref<128x128xf32, #tpu.memory_space<vmem>>) target(%dma_start3A_168 : memref<10240x128xf32, #tpu.memory_space<vmem_shared>>) offsets(%dma_start3A_165 : memref<128xi32, #tpu.memory_space<vmem>>) semaphore(%arg14 : memref<!tpu.dma_semaphore, #tpu.memory_space<semaphore_mem>>) {add = true}
        %scan3A_169 = arith.constant 0 : i32
        scf.yield %scan3A_169 : i32
      }
      %scan3A_74 = arith.constant 19 : i32
      %dma_wait3A_75 = arith.constant 0 : i32
      %dma_wait3A_76 = arith.constant 0 : i32
      %dma_wait3A_77 = tpu.memref_slice %arg6[%dma_wait3A_75, %dma_wait3A_76] : memref<40x128xi32, #tpu.memory_space<vmem>> -> memref<1x128xi32, #tpu.memory_space<vmem>>
      %dma_wait3A_78 = tpu.memref_squeeze %dma_wait3A_77 : memref<1x128xi32, #tpu.memory_space<vmem>> -> memref<128xi32, #tpu.memory_space<vmem>>
      %dma_wait3A_79 = arith.constant 0 : i32
      %dma_wait3A_80 = arith.constant 0 : i32
      %dma_wait3A_81 = tpu.memref_slice %arg4[%dma_wait3A_79, %dma_wait3A_80] : memref<10000x128xf32, #tpu.memory_space<hbm>> -> memref<10000x128xf32, #tpu.memory_space<hbm>>
      tpu.wait_indirect_dma semaphore(%arg13 : memref<!tpu.dma_semaphore, #tpu.memory_space<semaphore_mem>>) src(%dma_wait3A_81 : memref<10000x128xf32, #tpu.memory_space<hbm>>) dst(%arg9 : memref<128x128xf32, #tpu.memory_space<vmem>>)
      %dma_wait3A_82 = arith.constant 0 : i32
      %dma_wait3A_83 = arith.constant 0 : i32
      %dma_wait3A_84 = tpu.memref_slice %arg7[%dma_wait3A_82, %dma_wait3A_83] : memref<40x128xi32, #tpu.memory_space<vmem>> -> memref<1x128xi32, #tpu.memory_space<vmem>>
      %dma_wait3A_85 = tpu.memref_squeeze %dma_wait3A_84 : memref<1x128xi32, #tpu.memory_space<vmem>> -> memref<128xi32, #tpu.memory_space<vmem>>
      %dma_wait3A_86 = arith.constant 0 : i32
      %dma_wait3A_87 = arith.constant 0 : i32
      %dma_wait3A_88 = tpu.memref_slice %arg11[%dma_wait3A_86, %dma_wait3A_87] : memref<10240x128xf32, #tpu.memory_space<vmem_shared>> -> memref<10240x128xf32, #tpu.memory_space<vmem_shared>>
      tpu.wait_indirect_dma semaphore(%arg14 : memref<!tpu.dma_semaphore, #tpu.memory_space<semaphore_mem>>) src(%arg8 : memref<128x128xf32, #tpu.memory_space<vmem>>) dst(%dma_wait3A_88 : memref<10240x128xf32, #tpu.memory_space<vmem_shared>>)
      %dma_start3A_89 = arith.constant 39 : i32
      %dma_start3A_90 = arith.constant 0 : i32
      %dma_start3A_91 = tpu.memref_slice %arg7[%dma_start3A_89, %dma_start3A_90] : memref<40x128xi32, #tpu.memory_space<vmem>> -> memref<1x128xi32, #tpu.memory_space<vmem>>
      %dma_start3A_92 = tpu.memref_squeeze %dma_start3A_91 : memref<1x128xi32, #tpu.memory_space<vmem>> -> memref<128xi32, #tpu.memory_space<vmem>>
      %dma_start3A_93 = arith.constant 0 : i32
      %dma_start3A_94 = arith.constant 0 : i32
      %dma_start3A_95 = tpu.memref_slice %arg11[%dma_start3A_93, %dma_start3A_94] : memref<10240x128xf32, #tpu.memory_space<vmem_shared>> -> memref<10240x128xf32, #tpu.memory_space<vmem_shared>>
      tpu.enqueue_indirect_dma source(%arg9 : memref<128x128xf32, #tpu.memory_space<vmem>>) target(%dma_start3A_95 : memref<10240x128xf32, #tpu.memory_space<vmem_shared>>) offsets(%dma_start3A_92 : memref<128xi32, #tpu.memory_space<vmem>>) semaphore(%arg15 : memref<!tpu.dma_semaphore, #tpu.memory_space<semaphore_mem>>) {add = true}
      %dma_wait3A_96 = arith.constant 39 : i32
      %dma_wait3A_97 = arith.constant 0 : i32
      %dma_wait3A_98 = tpu.memref_slice %arg7[%dma_wait3A_96, %dma_wait3A_97] : memref<40x128xi32, #tpu.memory_space<vmem>> -> memref<1x128xi32, #tpu.memory_space<vmem>>
      %dma_wait3A_99 = tpu.memref_squeeze %dma_wait3A_98 : memref<1x128xi32, #tpu.memory_space<vmem>> -> memref<128xi32, #tpu.memory_space<vmem>>
      %dma_wait3A_100 = arith.constant 0 : i32
      %dma_wait3A_101 = arith.constant 0 : i32
      %dma_wait3A_102 = tpu.memref_slice %arg11[%dma_wait3A_100, %dma_wait3A_101] : memref<10240x128xf32, #tpu.memory_space<vmem_shared>> -> memref<10240x128xf32, #tpu.memory_space<vmem_shared>>
      tpu.wait_indirect_dma semaphore(%arg15 : memref<!tpu.dma_semaphore, #tpu.memory_space<semaphore_mem>>) src(%arg9 : memref<128x128xf32, #tpu.memory_space<vmem>>) dst(%dma_wait3A_102 : memref<10240x128xf32, #tpu.memory_space<vmem_shared>>)
      %while3A_103 = arith.constant 0 : i32
      scf.yield %while3A_103 : i32
    }
    %eq3A_27 = arith.constant 1 : i32
    %eq3A_28 = arith.cmpi eq, %arg0, %eq3A_27 : i32
    %convert_element_type3A = arith.extui %eq3A_28 : i1 to i32
    %cond3A = arith.constant 0 : i32
    %cond3A_29 = arith.cmpi ne, %convert_element_type3A, %cond3A : i32
    scf.if %cond3A_29 {
      %broadcast_in_dim3A = arith.constant 0.000000e+00 : f32
      %broadcast_in_dim3A_37 = vector.broadcast %broadcast_in_dim3A : f32 to vector<16xf32>
      %scan3A_38 = arith.constant 0 : i32
      %scan3A_39 = arith.constant 40000 : i32
      %scan3A_40 = arith.addi %scan3A_38, %scan3A_39 : i32
      %scan3A_41 = arith.constant 1 : i32
      %scan3A_42 = scf.for %scan3A_47 = %scan3A_38 to %scan3A_40 step %scan3A_41 iter_args(%scan3A_48 = %broadcast_in_dim3A_37) -> (vector<16xf32>)  : i32 {
        %mul3A_49 = arith.constant 1.00000012 : f32
        %mul3A_50 = vector.broadcast %mul3A_49 : f32 to vector<16xf32>
        %mul3A_51 = arith.mulf %scan3A_48, %mul3A_50 : vector<16xf32>
        %add3A_52 = arith.constant 1.000000e+00 : f32
        %add3A_53 = vector.broadcast %add3A_52 : f32 to vector<16xf32>
        %add3A_54 = arith.addf %mul3A_51, %add3A_53 : vector<16xf32>
        scf.yield %add3A_54 : vector<16xf32>
      }
      %scan3A_43 = arith.constant 40000 : i32
      %swap3A = arith.constant 0 : index
      %swap3A_44 = tpu.vector_load %arg10[%swap3A] {strides = array<i32>} : memref<16xf32, #tpu.memory_space<vmem>>, vector<16xf32>,
      %swap3A_45 = vector.shape_cast %swap3A_44 : vector<16xf32> to vector<16xf32>
      %swap3A_46 = vector.shape_cast %scan3A_42 : vector<16xf32> to vector<16xf32>
      tpu.vector_store %arg10[%swap3A], %swap3A_46 {strides = array<i32>} : memref<16xf32, #tpu.memory_space<vmem>>, vector<16xf32>,
    } else {
    }
    %barrier3A_30 = arith.constant 0 : index
    tpu.barrier barrier_id(%barrier3A_30)
    "tpu.trace_stop"() : () -> ()
    "tpu.trace_start"() <{level = 10 : i32, message = "agg_writeback"}> : () -> ()
    %mul3A_31 = arith.constant 640 : i32
    %mul3A_32 = arith.muli %arg1, %mul3A_31 : i32
    %mul3A_33 = arith.constant 10240 : i32
    %mul3A_34 = arith.muli %arg0, %mul3A_33 : i32
    %mul3A_35 = arith.constant 640 : i32
    %mul3A_36 = arith.muli %arg1, %mul3A_35 : i32
    %add3A = arith.addi %mul3A_34, %mul3A_36 : i32
    "tpu.region"() ({
      %run_scoped3A = tpu.sem_alloc : memref<!tpu.dma_semaphore, #tpu.memory_space<semaphore_mem>>
      %dma_start3A = arith.constant 0 : i32
      %dma_start3A_37 = tpu.memref_slice %arg5[%add3A, %dma_start3A] : memref<20480x128xf32, #tpu.memory_space<hbm>> -> memref<640x128xf32, #tpu.memory_space<hbm>>
      %dma_start3A_38 = arith.constant 0 : i32
      %dma_start3A_39 = tpu.memref_slice %arg11[%mul3A_32, %dma_start3A_38] : memref<10240x128xf32, #tpu.memory_space<vmem_shared>> -> memref<640x128xf32, #tpu.memory_space<vmem_shared>>
      tpu.enqueue_dma source(%dma_start3A_39 : memref<640x128xf32, #tpu.memory_space<vmem_shared>>) target(%dma_start3A_37 : memref<640x128xf32, #tpu.memory_space<hbm>>) target_semaphore(%run_scoped3A : memref<!tpu.dma_semaphore, #tpu.memory_space<semaphore_mem>>)
      %dma_wait3A = arith.constant 0 : i32
      %dma_wait3A_40 = tpu.memref_slice %arg5[%add3A, %dma_wait3A] : memref<20480x128xf32, #tpu.memory_space<hbm>> -> memref<640x128xf32, #tpu.memory_space<hbm>>
      %dma_wait3A_41 = arith.constant 0 : i32
      %dma_wait3A_42 = tpu.memref_slice %arg11[%mul3A_32, %dma_wait3A_41] : memref<10240x128xf32, #tpu.memory_space<vmem_shared>> -> memref<640x128xf32, #tpu.memory_space<vmem_shared>>
      tpu.wait_dma2 semaphore(%run_scoped3A : memref<!tpu.dma_semaphore, #tpu.memory_space<semaphore_mem>>) src(%dma_wait3A_42 : memref<640x128xf32, #tpu.memory_space<vmem_shared>>) dst(%dma_wait3A_40 : memref<640x128xf32, #tpu.memory_space<hbm>>)
      tpu.yield
    }) : () -> ()
    "tpu.trace_stop"() : () -> ()
    return
  }
}

module attributes {stable_mosaic.version = 14 : i64} {
  func.func @_mm_stats_body(%arg0: i32, %arg1: memref<1000x128xf32, #tpu.memory_space<vmem>>, %arg2: memref<1000x128xf32, #tpu.memory_space<vmem>>, %arg3: memref<1000x128xf32, #tpu.memory_space<vmem>>, %arg4: memref<128x128xf32, #tpu.memory_space<vmem>>, %arg5: memref<1x128xf32, #tpu.memory_space<vmem>>, %arg6: memref<128x128xf32, #tpu.memory_space<vmem>>, %arg7: memref<1000x128xf32, #tpu.memory_space<vmem>>, %arg8: memref<8x128xf32, #tpu.memory_space<vmem>>) attributes {dimension_semantics = [#tpu.dimension_semantics<arbitrary>], iteration_bounds = array<i64: 10>, scalar_prefetch = 0 : i64, scratch_operands = 0 : i64, tpu.core_type = #tpu.core_type<tc>, window_params = [{transform_indices = @transform_0, window_bounds = array<i64: 1000, 128>}, {transform_indices = @transform_1, window_bounds = array<i64: 1000, 128>}, {transform_indices = @transform_2, window_bounds = array<i64: 1000, 128>}, {pipeline_mode = #tpu.pipeline_mode<synchronous>, transform_indices = @transform_3, window_bounds = array<i64: 128, 128>}, {pipeline_mode = #tpu.pipeline_mode<synchronous>, transform_indices = @transform_4, window_bounds = array<i64: 1, 128>}, {pipeline_mode = #tpu.pipeline_mode<synchronous>, transform_indices = @transform_5, window_bounds = array<i64: 128, 128>}, {transform_indices = @transform_6, window_bounds = array<i64: 1000, 128>}, {transform_indices = @transform_7, window_bounds = array<i64: 8, 128>}]} {
    %get3A = arith.constant 0 : index
    %get3A_0 = arith.constant 0 : index
    %get3A_1 = vector.load %arg1[%get3A, %get3A_0] : memref<1000x128xf32, #tpu.memory_space<vmem>>, vector<1000x128xf32>
    %get3A_2 = arith.constant 0 : index
    %get3A_3 = arith.constant 0 : index
    %get3A_4 = vector.load %arg2[%get3A_2, %get3A_3] : memref<1000x128xf32, #tpu.memory_space<vmem>>, vector<1000x128xf32>
    %add3A = arith.addf %get3A_1, %get3A_4 : vector<1000x128xf32>
    %get3A_5 = arith.constant 0 : index
    %get3A_6 = arith.constant 0 : index
    %get3A_7 = vector.load %arg3[%get3A_5, %get3A_6] : memref<1000x128xf32, #tpu.memory_space<vmem>>, vector<1000x128xf32>
    %get3A_8 = arith.constant 0 : index
    %get3A_9 = arith.constant 0 : index
    %get3A_10 = vector.load %arg4[%get3A_8, %get3A_9] : memref<128x128xf32, #tpu.memory_space<vmem>>, vector<128x128xf32>
    %dot_general3A = arith.constant dense<0.000000e+00> : vector<1000x128xf32>
    %dot_general3A_11 = tpu.matmul %add3A, %get3A_10, %dot_general3A {dimension_numbers = #tpu.dot_dimension_numbers<[1], [1], [0], [0], [0, 0, 1, 0], [], []>, transpose_lhs_hint = false} : vector<1000x128xf32>, vector<128x128xf32>, vector<1000x128xf32> -> vector<1000x128xf32>
    %get3A_12 = arith.constant 0 : index
    %get3A_13 = arith.constant 0 : index
    %get3A_14 = vector.load %arg6[%get3A_12, %get3A_13] : memref<128x128xf32, #tpu.memory_space<vmem>>, vector<128x128xf32>
    %dot_general3A_15 = arith.constant dense<0.000000e+00> : vector<1000x128xf32>
    %dot_general3A_16 = tpu.matmul %get3A_7, %get3A_14, %dot_general3A_15 {dimension_numbers = #tpu.dot_dimension_numbers<[1], [1], [0], [0], [0, 0, 1, 0], [], []>, transpose_lhs_hint = false} : vector<1000x128xf32>, vector<128x128xf32>, vector<1000x128xf32> -> vector<1000x128xf32>
    %add3A_17 = arith.addf %dot_general3A_11, %dot_general3A_16 : vector<1000x128xf32>
    %get3A_18 = arith.constant 0 : index
    %get3A_19 = arith.constant 0 : index
    %get3A_20 = vector.load %arg5[%get3A_18, %get3A_19] : memref<1x128xf32, #tpu.memory_space<vmem>>, vector<1x128xf32>
    %add3A_21 = vector.broadcast %get3A_20 : vector<1x128xf32> to vector<1000x128xf32>
    %add3A_22 = arith.addf %add3A_17, %add3A_21 : vector<1000x128xf32>
    %swap3A = arith.constant 0 : index
    %swap3A_23 = arith.constant 0 : index
    %swap3A_24 = vector.load %arg7[%swap3A, %swap3A_23] : memref<1000x128xf32, #tpu.memory_space<vmem>>, vector<1000x128xf32>
    tpu.vector_store %arg7[%swap3A, %swap3A_23], %add3A_22 {strides = array<i32>} : memref<1000x128xf32, #tpu.memory_space<vmem>>, vector<1000x128xf32>,
    %reduce_sum3A = vector.shape_cast %add3A_22 : vector<1000x128xf32> to vector<1x1000x128xf32>
    %reduce_sum3A_25 = arith.constant dense<0.000000e+00> : vector<1xf32>
    %reduce_sum3A_26 = vector.multi_reduction <add>, %reduce_sum3A, %reduce_sum3A_25 [1, 2] : vector<1x1000x128xf32> to vector<1xf32>
    %reduce_sum3A_27 = vector.shape_cast %reduce_sum3A_26 : vector<1xf32> to vector<1x1x1xf32>
    %reduce_sum3A_28 = vector.extract %reduce_sum3A_27[0, 0, 0] : f32 from vector<1x1x1xf32>
    %mul3A = arith.mulf %add3A_22, %add3A_22 : vector<1000x128xf32>
    %reduce_sum3A_29 = vector.shape_cast %mul3A : vector<1000x128xf32> to vector<1x1000x128xf32>
    %reduce_sum3A_30 = arith.constant dense<0.000000e+00> : vector<1xf32>
    %reduce_sum3A_31 = vector.multi_reduction <add>, %reduce_sum3A_29, %reduce_sum3A_30 [1, 2] : vector<1x1000x128xf32> to vector<1xf32>
    %reduce_sum3A_32 = vector.shape_cast %reduce_sum3A_31 : vector<1xf32> to vector<1x1x1xf32>
    %reduce_sum3A_33 = vector.extract %reduce_sum3A_32[0, 0, 0] : f32 from vector<1x1x1xf32>
    %iota3A = tpu.iota {dimensions = array<i32: 1>} : vector<8x128xi32>
    %eq3A = arith.constant 0 : i32
    %eq3A_34 = vector.broadcast %eq3A : i32 to vector<8x128xi32>
    %eq3A_35 = arith.cmpi eq, %iota3A, %eq3A_34 : vector<8x128xi32>
    %eq3A_36 = arith.constant 1 : i32
    %eq3A_37 = vector.broadcast %eq3A_36 : i32 to vector<8x128xi32>
    %eq3A_38 = arith.cmpi eq, %iota3A, %eq3A_37 : vector<8x128xi32>
    %jit3A = arith.constant 0.000000e+00 : f32
    %broadcast_in_dim3A = vector.broadcast %reduce_sum3A_33 : f32 to vector<8x128xf32>
    %broadcast_in_dim3A_39 = vector.broadcast %jit3A : f32 to vector<8x128xf32>
    %select_n3A = arith.select %eq3A_38, %broadcast_in_dim3A, %broadcast_in_dim3A_39 : vector<8x128xi1>, vector<8x128xf32>
    %broadcast_in_dim3A_40 = vector.broadcast %reduce_sum3A_28 : f32 to vector<8x128xf32>
    %select_n3A_41 = arith.select %eq3A_35, %broadcast_in_dim3A_40, %select_n3A : vector<8x128xi1>, vector<8x128xf32>
    %swap3A_42 = arith.constant 0 : index
    %swap3A_43 = arith.constant 0 : index
    %swap3A_44 = vector.load %arg8[%swap3A_42, %swap3A_43] : memref<8x128xf32, #tpu.memory_space<vmem>>, vector<8x128xf32>
    tpu.vector_store %arg8[%swap3A_42, %swap3A_43], %select_n3A_41 {strides = array<i32>} : memref<8x128xf32, #tpu.memory_space<vmem>>, vector<8x128xf32>,
    return
  }
  func.func @transform_0(%arg0: i32) -> (i32, i32) {
    %c0_i32 = arith.constant 0 : i32
    %c0_i32_0 = arith.constant 0 : i32
    return %arg0, %c0_i32 : i32, i32
  }
  func.func @transform_1(%arg0: i32) -> (i32, i32) {
    %c0_i32 = arith.constant 0 : i32
    %c0_i32_0 = arith.constant 0 : i32
    return %arg0, %c0_i32 : i32, i32
  }
  func.func @transform_2(%arg0: i32) -> (i32, i32) {
    %c0_i32 = arith.constant 0 : i32
    %c0_i32_0 = arith.constant 0 : i32
    return %arg0, %c0_i32 : i32, i32
  }
  func.func @transform_3(%arg0: i32) -> (i32, i32) {
    %c0_i32 = arith.constant 0 : i32
    %c0_i32_0 = arith.constant 0 : i32
    %c0_i32_1 = arith.constant 0 : i32
    return %c0_i32, %c0_i32_0 : i32, i32
  }
  func.func @transform_4(%arg0: i32) -> (i32, i32) {
    %c0_i32 = arith.constant 0 : i32
    %c0_i32_0 = arith.constant 0 : i32
    %c0_i32_1 = arith.constant 0 : i32
    return %c0_i32, %c0_i32_0 : i32, i32
  }
  func.func @transform_5(%arg0: i32) -> (i32, i32) {
    %c0_i32 = arith.constant 0 : i32
    %c0_i32_0 = arith.constant 0 : i32
    %c0_i32_1 = arith.constant 0 : i32
    return %c0_i32, %c0_i32_0 : i32, i32
  }
  func.func @transform_6(%arg0: i32) -> (i32, i32) {
    %c0_i32 = arith.constant 0 : i32
    %c0_i32_0 = arith.constant 0 : i32
    return %arg0, %c0_i32 : i32, i32
  }
  func.func @transform_7(%arg0: i32) -> (i32, i32) {
    %c0_i32 = arith.constant 0 : i32
    %c0_i32_0 = arith.constant 0 : i32
    return %arg0, %c0_i32 : i32, i32
  }
}

module attributes {stable_mosaic.version = 14 : i64} {
  func.func @_norm_body(%arg0: i32, %arg1: memref<1000x128xf32, #tpu.memory_space<vmem>>, %arg2: memref<80x128xf32, #tpu.memory_space<vmem>>, %arg3: memref<1x1xf32, #tpu.memory_space<vmem>>, %arg4: memref<1x1xf32, #tpu.memory_space<vmem>>, %arg5: memref<1000x128xf32, #tpu.memory_space<vmem>>) attributes {dimension_semantics = [#tpu.dimension_semantics<arbitrary>], iteration_bounds = array<i64: 10>, scalar_prefetch = 0 : i64, scratch_operands = 0 : i64, tpu.core_type = #tpu.core_type<tc>, window_params = [{transform_indices = @transform_0, window_bounds = array<i64: 1000, 128>}, {pipeline_mode = #tpu.pipeline_mode<synchronous>, transform_indices = @transform_1, window_bounds = array<i64: 80, 128>}, {pipeline_mode = #tpu.pipeline_mode<synchronous>, transform_indices = @transform_2, window_bounds = array<i64: 1, 1>}, {pipeline_mode = #tpu.pipeline_mode<synchronous>, transform_indices = @transform_3, window_bounds = array<i64: 1, 1>}, {transform_indices = @transform_4, window_bounds = array<i64: 1000, 128>}]} {
    %get3A = arith.constant 0 : index
    %get3A_0 = arith.constant 0 : index
    %get3A_1 = vector.load %arg2[%get3A, %get3A_0] : memref<80x128xf32, #tpu.memory_space<vmem>>, vector<80x128xf32>
    %slice3A = vector.extract_strided_slice %get3A_1 {offsets = [0, 0], sizes = [80, 1], strides = [1, 1]} : vector<80x128xf32> to vector<80x1xf32>
    %reduce_sum3A = vector.shape_cast %slice3A : vector<80x1xf32> to vector<1x80x1xf32>
    %reduce_sum3A_2 = arith.constant dense<0.000000e+00> : vector<1xf32>
    %reduce_sum3A_3 = vector.multi_reduction <add>, %reduce_sum3A, %reduce_sum3A_2 [1, 2] : vector<1x80x1xf32> to vector<1xf32>
    %reduce_sum3A_4 = vector.shape_cast %reduce_sum3A_3 : vector<1xf32> to vector<1x1x1xf32>
    %reduce_sum3A_5 = vector.extract %reduce_sum3A_4[0, 0, 0] : f32 from vector<1x1x1xf32>
    %div3A = arith.constant 8.000000e+00 : f32
    %div3A_6 = arith.divf %reduce_sum3A_5, %div3A : f32
    %slice3A_7 = vector.extract_strided_slice %get3A_1 {offsets = [0, 1], sizes = [80, 1], strides = [1, 1]} : vector<80x128xf32> to vector<80x1xf32>
    %reduce_sum3A_8 = vector.shape_cast %slice3A_7 : vector<80x1xf32> to vector<1x80x1xf32>
    %reduce_sum3A_9 = arith.constant dense<0.000000e+00> : vector<1xf32>
    %reduce_sum3A_10 = vector.multi_reduction <add>, %reduce_sum3A_8, %reduce_sum3A_9 [1, 2] : vector<1x80x1xf32> to vector<1xf32>
    %reduce_sum3A_11 = vector.shape_cast %reduce_sum3A_10 : vector<1xf32> to vector<1x1x1xf32>
    %reduce_sum3A_12 = vector.extract %reduce_sum3A_11[0, 0, 0] : f32 from vector<1x1x1xf32>
    %div3A_13 = arith.constant 8.000000e+00 : f32
    %div3A_14 = arith.divf %reduce_sum3A_12, %div3A_13 : f32
    %div3A_15 = arith.constant 1.280000e+06 : f32
    %div3A_16 = arith.divf %div3A_6, %div3A_15 : f32
    %div3A_17 = arith.constant 1.280000e+06 : f32
    %div3A_18 = arith.divf %div3A_14, %div3A_17 : f32
    %mul3A = arith.mulf %div3A_16, %div3A_16 : f32
    %sub3A = arith.subf %div3A_18, %mul3A : f32
    %add3A = arith.constant 1.000000e-03 : f32
    %add3A_19 = arith.addf %sub3A, %add3A : f32
    %rsqrt3A = math.rsqrt %add3A_19 : f32
    %get3A_20 = arith.constant 0 : index
    %get3A_21 = arith.constant 0 : index
    %get3A_22 = vector.load %arg3[%get3A_20, %get3A_21] : memref<1x1xf32, #tpu.memory_space<vmem>>, vector<1x1xf32>
    %get3A_23 = vector.extract %get3A_22[0, 0] : f32 from vector<1x1xf32>
    %get3A_24 = arith.constant 0 : index
    %get3A_25 = arith.constant 0 : index
    %get3A_26 = vector.load %arg4[%get3A_24, %get3A_25] : memref<1x1xf32, #tpu.memory_space<vmem>>, vector<1x1xf32>
    %get3A_27 = vector.extract %get3A_26[0, 0] : f32 from vector<1x1xf32>
    %get3A_28 = arith.constant 0 : index
    %get3A_29 = arith.constant 0 : index
    %get3A_30 = vector.load %arg1[%get3A_28, %get3A_29] : memref<1000x128xf32, #tpu.memory_space<vmem>>, vector<1000x128xf32>
    %sub3A_31 = vector.broadcast %div3A_16 : f32 to vector<1000x128xf32>
    %sub3A_32 = arith.subf %get3A_30, %sub3A_31 : vector<1000x128xf32>
    %mul3A_33 = arith.mulf %rsqrt3A, %get3A_23 : f32
    %mul3A_34 = vector.broadcast %mul3A_33 : f32 to vector<1000x128xf32>
    %mul3A_35 = arith.mulf %sub3A_32, %mul3A_34 : vector<1000x128xf32>
    %add3A_36 = vector.broadcast %get3A_27 : f32 to vector<1000x128xf32>
    %add3A_37 = arith.addf %mul3A_35, %add3A_36 : vector<1000x128xf32>
    %max3A = arith.constant 0.000000e+00 : f32
    %max3A_38 = vector.broadcast %max3A : f32 to vector<1000x128xf32>
    %max3A_39 = arith.maximumf %add3A_37, %max3A_38 : vector<1000x128xf32>
    %swap3A = arith.constant 0 : index
    %swap3A_40 = arith.constant 0 : index
    %swap3A_41 = vector.load %arg5[%swap3A, %swap3A_40] : memref<1000x128xf32, #tpu.memory_space<vmem>>, vector<1000x128xf32>
    tpu.vector_store %arg5[%swap3A, %swap3A_40], %max3A_39 {strides = array<i32>} : memref<1000x128xf32, #tpu.memory_space<vmem>>, vector<1000x128xf32>,
    return
  }
  func.func @transform_0(%arg0: i32) -> (i32, i32) {
    %c0_i32 = arith.constant 0 : i32
    %c0_i32_0 = arith.constant 0 : i32
    return %arg0, %c0_i32 : i32, i32
  }
  func.func @transform_1(%arg0: i32) -> (i32, i32) {
    %c0_i32 = arith.constant 0 : i32
    %c0_i32_0 = arith.constant 0 : i32
    %c0_i32_1 = arith.constant 0 : i32
    return %c0_i32, %c0_i32_0 : i32, i32
  }
  func.func @transform_2(%arg0: i32) -> (i32, i32) {
    %c0_i32 = arith.constant 0 : i32
    %c0_i32_0 = arith.constant 0 : i32
    %c0_i32_1 = arith.constant 0 : i32
    return %c0_i32, %c0_i32_0 : i32, i32
  }
  func.func @transform_3(%arg0: i32) -> (i32, i32) {
    %c0_i32 = arith.constant 0 : i32
    %c0_i32_0 = arith.constant 0 : i32
    %c0_i32_1 = arith.constant 0 : i32
    return %c0_i32, %c0_i32_0 : i32, i32
  }
  func.func @transform_4(%arg0: i32) -> (i32, i32) {
    %c0_i32 = arith.constant 0 : i32
    %c0_i32_0 = arith.constant 0 : i32
    return %arg0, %c0_i32 : i32, i32
  }
}

module attributes {stable_mosaic.version = 14 : i64} {
  func.func @_norm_body(%arg0: i32, %arg1: memref<1000x128xf32, #tpu.memory_space<vmem>>, %arg2: memref<80x128xf32, #tpu.memory_space<vmem>>, %arg3: memref<1x1xf32, #tpu.memory_space<vmem>>, %arg4: memref<1x1xf32, #tpu.memory_space<vmem>>, %arg5: memref<1000x128xf32, #tpu.memory_space<vmem>>) attributes {dimension_semantics = [#tpu.dimension_semantics<arbitrary>], iteration_bounds = array<i64: 10>, scalar_prefetch = 0 : i64, scratch_operands = 0 : i64, tpu.core_type = #tpu.core_type<tc>, window_params = [{transform_indices = @transform_0, window_bounds = array<i64: 1000, 128>}, {pipeline_mode = #tpu.pipeline_mode<synchronous>, transform_indices = @transform_1, window_bounds = array<i64: 80, 128>}, {pipeline_mode = #tpu.pipeline_mode<synchronous>, transform_indices = @transform_2, window_bounds = array<i64: 1, 1>}, {pipeline_mode = #tpu.pipeline_mode<synchronous>, transform_indices = @transform_3, window_bounds = array<i64: 1, 1>}, {transform_indices = @transform_4, window_bounds = array<i64: 1000, 128>}]} {
    %get3A = arith.constant 0 : index
    %get3A_0 = arith.constant 0 : index
    %get3A_1 = vector.load %arg2[%get3A, %get3A_0] : memref<80x128xf32, #tpu.memory_space<vmem>>, vector<80x128xf32>
    %slice3A = vector.extract_strided_slice %get3A_1 {offsets = [0, 0], sizes = [80, 1], strides = [1, 1]} : vector<80x128xf32> to vector<80x1xf32>
    %reduce_sum3A = vector.shape_cast %slice3A : vector<80x1xf32> to vector<1x80x1xf32>
    %reduce_sum3A_2 = arith.constant dense<0.000000e+00> : vector<1xf32>
    %reduce_sum3A_3 = vector.multi_reduction <add>, %reduce_sum3A, %reduce_sum3A_2 [1, 2] : vector<1x80x1xf32> to vector<1xf32>
    %reduce_sum3A_4 = vector.shape_cast %reduce_sum3A_3 : vector<1xf32> to vector<1x1x1xf32>
    %reduce_sum3A_5 = vector.extract %reduce_sum3A_4[0, 0, 0] : f32 from vector<1x1x1xf32>
    %div3A = arith.constant 8.000000e+00 : f32
    %div3A_6 = arith.divf %reduce_sum3A_5, %div3A : f32
    %slice3A_7 = vector.extract_strided_slice %get3A_1 {offsets = [0, 1], sizes = [80, 1], strides = [1, 1]} : vector<80x128xf32> to vector<80x1xf32>
    %reduce_sum3A_8 = vector.shape_cast %slice3A_7 : vector<80x1xf32> to vector<1x80x1xf32>
    %reduce_sum3A_9 = arith.constant dense<0.000000e+00> : vector<1xf32>
    %reduce_sum3A_10 = vector.multi_reduction <add>, %reduce_sum3A_8, %reduce_sum3A_9 [1, 2] : vector<1x80x1xf32> to vector<1xf32>
    %reduce_sum3A_11 = vector.shape_cast %reduce_sum3A_10 : vector<1xf32> to vector<1x1x1xf32>
    %reduce_sum3A_12 = vector.extract %reduce_sum3A_11[0, 0, 0] : f32 from vector<1x1x1xf32>
    %div3A_13 = arith.constant 8.000000e+00 : f32
    %div3A_14 = arith.divf %reduce_sum3A_12, %div3A_13 : f32
    %div3A_15 = arith.constant 1.280000e+06 : f32
    %div3A_16 = arith.divf %div3A_6, %div3A_15 : f32
    %div3A_17 = arith.constant 1.280000e+06 : f32
    %div3A_18 = arith.divf %div3A_14, %div3A_17 : f32
    %mul3A = arith.mulf %div3A_16, %div3A_16 : f32
    %sub3A = arith.subf %div3A_18, %mul3A : f32
    %add3A = arith.constant 1.000000e-03 : f32
    %add3A_19 = arith.addf %sub3A, %add3A : f32
    %rsqrt3A = math.rsqrt %add3A_19 : f32
    %get3A_20 = arith.constant 0 : index
    %get3A_21 = arith.constant 0 : index
    %get3A_22 = vector.load %arg3[%get3A_20, %get3A_21] : memref<1x1xf32, #tpu.memory_space<vmem>>, vector<1x1xf32>
    %get3A_23 = vector.extract %get3A_22[0, 0] : f32 from vector<1x1xf32>
    %get3A_24 = arith.constant 0 : index
    %get3A_25 = arith.constant 0 : index
    %get3A_26 = vector.load %arg4[%get3A_24, %get3A_25] : memref<1x1xf32, #tpu.memory_space<vmem>>, vector<1x1xf32>
    %get3A_27 = vector.extract %get3A_26[0, 0] : f32 from vector<1x1xf32>
    %get3A_28 = arith.constant 0 : index
    %get3A_29 = arith.constant 0 : index
    %get3A_30 = vector.load %arg1[%get3A_28, %get3A_29] : memref<1000x128xf32, #tpu.memory_space<vmem>>, vector<1000x128xf32>
    %sub3A_31 = vector.broadcast %div3A_16 : f32 to vector<1000x128xf32>
    %sub3A_32 = arith.subf %get3A_30, %sub3A_31 : vector<1000x128xf32>
    %mul3A_33 = arith.mulf %rsqrt3A, %get3A_23 : f32
    %mul3A_34 = vector.broadcast %mul3A_33 : f32 to vector<1000x128xf32>
    %mul3A_35 = arith.mulf %sub3A_32, %mul3A_34 : vector<1000x128xf32>
    %add3A_36 = vector.broadcast %get3A_27 : f32 to vector<1000x128xf32>
    %add3A_37 = arith.addf %mul3A_35, %add3A_36 : vector<1000x128xf32>
    %max3A = arith.constant 0.000000e+00 : f32
    %max3A_38 = vector.broadcast %max3A : f32 to vector<1000x128xf32>
    %max3A_39 = arith.maximumf %add3A_37, %max3A_38 : vector<1000x128xf32>
    %swap3A = arith.constant 0 : index
    %swap3A_40 = arith.constant 0 : index
    %swap3A_41 = vector.load %arg5[%swap3A, %swap3A_40] : memref<1000x128xf32, #tpu.memory_space<vmem>>, vector<1000x128xf32>
    tpu.vector_store %arg5[%swap3A, %swap3A_40], %max3A_39 {strides = array<i32>} : memref<1000x128xf32, #tpu.memory_space<vmem>>, vector<1000x128xf32>,
    return
  }
  func.func @transform_0(%arg0: i32) -> (i32, i32) {
    %c0_i32 = arith.constant 0 : i32
    %c0_i32_0 = arith.constant 0 : i32
    return %arg0, %c0_i32 : i32, i32
  }
  func.func @transform_1(%arg0: i32) -> (i32, i32) {
    %c0_i32 = arith.constant 0 : i32
    %c0_i32_0 = arith.constant 0 : i32
    %c0_i32_1 = arith.constant 0 : i32
    return %c0_i32, %c0_i32_0 : i32, i32
  }
  func.func @transform_2(%arg0: i32) -> (i32, i32) {
    %c0_i32 = arith.constant 0 : i32
    %c0_i32_0 = arith.constant 0 : i32
    %c0_i32_1 = arith.constant 0 : i32
    return %c0_i32, %c0_i32_0 : i32, i32
  }
  func.func @transform_3(%arg0: i32) -> (i32, i32) {
    %c0_i32 = arith.constant 0 : i32
    %c0_i32_0 = arith.constant 0 : i32
    %c0_i32_1 = arith.constant 0 : i32
    return %c0_i32, %c0_i32_0 : i32, i32
  }
  func.func @transform_4(%arg0: i32) -> (i32, i32) {
    %c0_i32 = arith.constant 0 : i32
    %c0_i32_0 = arith.constant 0 : i32
    return %arg0, %c0_i32 : i32, i32
  }
}

</mosaic_0001>

<sc_bundles>
// kernel: kernel.11.cloned.1.call-start
scs
__scs_entry_jumppad:
0x0: {  	(pc) =	sbr.rel $0x88, $3  }
0x1: {  	(tag) =	ssettag $0x0;
	lr =	simm.s32 $0x1  }
0x2: {  	[smem:$0x3F95] =	sst lr;
	_ =	strace $0xD0000000  }
0x3: {  	_ = 	snop  }
0x4: {  	_ = 	snop  }
0x5: {  	_ = 	snop  }
0x6: {  	_ = 	snop  }
0x7: {  	_ = 	snop  }
__scs_overlays_trampoline_lowered:
0x8: {  	[smem:$0x3FA4] =	sst s0  }
0x9: {  	[smem:$0x3FA5] =	sst s1  }
0xa: {  	[smem:$0x3FA6] =	sst s2  }
0xb: {  	[smem:$0x3FA7] =	sst s3  }
0xc: {  	[smem:$0x3FA8] =	sst s4  }
0xd: {  	[smem:$0x3FA9] =	sst s5  }
0xe: {  	[smem:$0x3FAA] =	sst s6  }
0xf: {  	[smem:$0x3FAB] =	sst s7  }
0x10: {  	[smem:$0x3FAC] =	sst s8  }
0x11: {  	[smem:$0x3FAD] =	sst s9;
	s0 =	simm.s32 @!p0 $0x0  }
0x12: {  	s1 =	sld [smem:$0x3F93];
	s0 =	simm.s32 @p0 $0x1  }
0x13: {  	[smem:$0x3FAE] =	sst s0;
	s0 =	simm.s32 @!p1 $0x0  }
0x14: {  	s2 =	sld [smem:$0x3F92];
	s0 =	simm.s32 @p1 $0x1  }
0x15: {  	[smem:$0x3FAF] =	sst s0;
	s0 =	simm.s32 @!p2 $0x0  }
0x16: {  	s3 =	sld [smem:$0x3FDB];
	s0 =	simm.s32 @p2 $0x1  }
0x17: {  	s4 =	simm.s32 $0x1BF5;
	[smem:$0x3FB1] =	sst s0  }
0x18: {  	s0 =	sld [smem:$0x3F94];
	_ =	swait.ge [sflag:s4], $0x0  }
0x19: {  	s7 =	sld [smem:$0x3F95]  }
0x1a: {  	s8 =	sadd.s32 $0xFFFFE003, lr  }
0x1b: {  	s9 =	sadd.s32 $0xFFFFFEF7, lr;
	s5 =	simm.s32 $0xFFFFFFFF;
	p2 =	slt.u32 s8, $0xFFFFF086  }
0x1c: {  	p1 =	slt.u32 s9, $0xF7A;
	s5 =	simm.s32 @!p2 $0x0  }
0x1d: {  	s5 =	simm.s32 @p1 $0x1;
	p0 =	seq.s32 s7, s2  }
0x1e: {  	s7 =	smul.u32 @!p0 $0xF7A, s2;
	p2 =	seq.s32 @!p0 s5, $0x0  }
0x1f: {  	s9 =	smul.u32 $0xF7A, s1;
	s8 =	simm.s32 @!p0 $0x1BF5;
	p2 =	por !p2, p0  }
0x20: {  	[sflag:s8] =	ssyncset.s32 @!p0 $0xFFFFF086;
	s6 =	sadd.s32 @!p0 s3, s7;
	s7 =	simm.s32 @!p0 $0x108  }
0x21: {  	s3 =	sadd.s32 s3, s9;
	s6 =	sadd.s32 @!p0 $0x88, s6;
	s7 =	simm.s32 @p2 $0x1082  }
0x22: {  	[simem:s7], [sflag:s8] =	dma.local @!p0 [hbm:s6], $0xF7A  }
0x23: {  	s9 =	sor.u32 $0xD0000000, s2;
	s6 =	simm.s32 $0x108;
	_ =	swait.ge @!p0 [sflag:s8], $0x0  }
0x24: {  	s3 =	sadd.s32 $0x88, s3;
	s6 =	simm.s32 @!p1 $0x1082;
	[sflag:s4] =	ssyncset.s32 $0xFFFFF086  }
0x25: {  	[simem:s6], [sflag:s4] =	dma.local [hbm:s3], $0xF7A  }
0x26: {  	[smem:$0x3F95] =	sst s1;
	(tag) =	ssettag s2;
	_ =	strace s9  }
0x27: {  	s1 =	sld [smem:$0x3FA5]  }
0x28: {  	s2 =	sld [smem:$0x3FA6]  }
0x29: {  	s4 =	sld [smem:$0x3FA8]  }
0x2a: {  	p0 =	seq.s32 s5, $0x0;
	s5 =	sld [smem:$0x3FA9]  }
0x2b: {  	s6 =	sld [smem:$0x3FAA]  }
0x2c: {  	s7 =	sld [smem:$0x3FAB]  }
0x2d: {  	s3 =	simm.s32 $0x108;
	s8 =	sld [smem:$0x3FAC]  }
0x2e: {  	s3 =	simm.s32 @!p0 $0x1082;
	s9 =	sld [smem:$0x3FAD]  }
0x2f: {  	lr =	sadd.s32 s0, s3;
	s0 =	sld [smem:$0x3FA4]  }
0x30: {  	s3 =	sld [smem:$0x3FA7]  }
0x31: {  	[smem:$0x3FB0] =	sst s10  }
0x32: {  	s10 =	sld [smem:$0x3FAE];
	_ =	sdelay $0x3  }
0x33: {  	p0 =	seq.s32 s10, $0x1;
	s10 =	sld [smem:$0x3FB0];
	_ =	sdelay $0x3  }
0x34: {  	[smem:$0x3FB0] =	sst s10  }
0x35: {  	s10 =	sld [smem:$0x3FAF];
	_ =	sdelay $0x3  }
0x36: {  	p1 =	seq.s32 s10, $0x1;
	s10 =	sld [smem:$0x3FB0];
	_ =	sdelay $0x3  }
0x37: {  	[smem:$0x3FB0] =	sst s10  }
0x38: {  	s10 =	sld [smem:$0x3FB1]  }
0x39: {  	_ = 	snop;
	(pc) =	sbr.ind lr, $3  }
0x3a: {  	_ = 	snop  }
0x3b: {  	_ = 	snop  }
0x3c: {  	p2 =	seq.s32 s10, $0x1;
	s10 =	sld [smem:$0x3FB0]  }
0x3d: {  	_ =	shalt  }
0x3e: {  	_ =	shalt  }
0x3f: {  	_ =	shalt  }
0x40: {  	_ =	shalt  }
0x41: {  	_ =	shalt  }
0x42: {  	_ =	shalt  }
0x43: {  	_ =	shalt  }
0x44: {  	_ =	shalt  }
0x45: {  	_ =	shalt  }
0x46: {  	_ =	shalt  }
0x47: {  	_ =	shalt  }
0x48: {  	_ =	shalt  }
0x49: {  	_ =	shalt  }
0x4a: {  	_ =	shalt  }
0x4b: {  	_ =	shalt  }
0x4c: {  	_ =	shalt  }
0x4d: {  	_ =	shalt  }
0x4e: {  	_ =	shalt  }
0x4f: {  	_ =	shalt  }
0x50: {  	_ =	shalt  }
0x51: {  	_ =	shalt  }
0x52: {  	_ =	shalt  }
0x53: {  	_ =	shalt  }
0x54: {  	_ =	shalt  }
0x55: {  	_ =	shalt  }
0x56: {  	_ =	shalt  }
0x57: {  	_ =	shalt  }
0x58: {  	_ =	shalt  }
0x59: {  	_ =	shalt  }
0x5a: {  	_ =	shalt  }
0x5b: {  	_ =	shalt  }
0x5c: {  	_ =	shalt  }
0x5d: {  	_ =	shalt  }
0x5e: {  	_ =	shalt  }
0x5f: {  	_ =	shalt  }
0x60: {  	_ =	shalt  }
0x61: {  	_ =	shalt  }
0x62: {  	_ =	shalt  }
0x63: {  	_ =	shalt  }
0x64: {  	_ =	shalt  }
0x65: {  	_ =	shalt  }
0x66: {  	_ =	shalt  }
0x67: {  	_ =	shalt  }
0x68: {  	_ =	shalt  }
0x69: {  	_ =	shalt  }
0x6a: {  	_ =	shalt  }
0x6b: {  	_ =	shalt  }
0x6c: {  	_ =	shalt  }
0x6d: {  	_ =	shalt  }
0x6e: {  	_ =	shalt  }
0x6f: {  	_ =	shalt  }
0x70: {  	_ =	shalt  }
0x71: {  	_ =	shalt  }
0x72: {  	_ =	shalt  }
0x73: {  	_ =	shalt  }
0x74: {  	_ =	shalt  }
0x75: {  	_ =	shalt  }
0x76: {  	_ =	shalt  }
0x77: {  	_ =	shalt  }
0x78: {  	_ =	shalt  }
0x79: {  	_ =	shalt  }
0x7a: {  	_ =	shalt  }
0x7b: {  	_ =	shalt  }
0x7c: {  	_ =	shalt  }
0x7d: {  	_ =	shalt  }
0x7e: {  	_ =	shalt  }
0x7f: {  	_ =	shalt  }
0x80: {  	_ =	shalt  }
0x81: {  	_ =	shalt  }
0x82: {  	_ =	shalt  }
0x83: {  	_ =	shalt  }
0x84: {  	_ =	shalt  }
0x85: {  	_ =	shalt  }
0x86: {  	_ =	shalt  }
0x87: {  	_ =	shalt  }
.Lfunc_end0:
.L_simem_size_0:
called_computation.1_lowered:
.L_overlay_start_0:
0x88: {  	s2 =	sld [smem:$0x3FD9]  }
0x89: {  	s3 =	sld [smem:$0x3FFE];
	_ =	sdelay $0x1  }
0x8a: {  	s1 =	srdreg.scid  }
0x8b: {  	s0 =	sand.u32 $0x1, s1  }
0x8c: {  	s17 =	sshll.u32 s0, $0xA;
	s2 =	sadd.s32 s3, s2  }
0x8d: {  	s2 =	sadd.s32 s2, s17  }
0x8e: {  	[smem:$0x3FBC] =	sst s2  }
0x8f: {  	_ = 	snop  }
0x90: {  	s2 =	sld [smem:$0x3FD0];
	(tm) =	ssettm $0x1  }
0x91: {  	s18 =	sld [smem:$0x3FFB];
	_ =	sdelay $0x3  }
0x92: {  	_ =	strace s18  }
0x93: {  	s3 =	sld [smem:$0x3FFC];
	_ =	sdelay $0x3  }
0x94: {  	_ =	strace s3  }
0x95: {  	s3 =	sld [smem:$0x3FFD];
	_ =	sdelay $0x3  }
0x96: {  	_ =	strace s3  }
0x97: {  	_ =	strace $0x8FFFFFFF  }
0x98: {  	s19 =	sld [smem:$0x3FDB];
	_ =	sdelay $0x1  }
0x99: {  	s4 =	simm.s32 $_scs_section_size  }
0x9a: {  	s5 =	simm.s32 $_size__tile_overlayer_lowered;
	s6 =	simm.s32 $_tile_overlayer_lowered  }
0x9b: {  	s22 =	simm.s32 $0x1BFF;
	s21 =	sshll.u32 s6, $0x1;
	s3 =	sadd.s32 s4, s19  }
0x9c: {  	s7 =	simm.s32 $0x0;
	s20 =	sshll.u32 s5, $0x1;
	s5 =	sadd.s32 s21, s3  }
0x9d: {  	[timem:s7], [sflag:s22] =	dma.local [hbm:s5], s20  }
0x9e: {  	_ =	swait.ge [sflag:s22], s20  }
0x9f: {  	s4 =	ssub.s32 $0x0, s20;
	[sflag:s22] =	ssyncset.done $0x0  }
0xa0: {  	[sflag:s22] =	ssyncadd.s32 s4;
	_ =	sdelay $0x1  }
0xa1: {  	s23 =	simm.s32 $0x1B8B  }
0xa2: {  	_ =	swait.ge [sflag:s23], $0x1  }
0xa3: {  	[sflag:s23] =	ssyncset.done $0x0  }
0xa4: {  	s25 =	simm.s32 $0x1B8E;
	s24 =	sld [smem:$0x3FFE];
	[sflag:s23] =	ssyncadd.s32 $0xFFFFFFFF  }
0xa5: {  	s26 =	simm.s32 $execute0_lowered;
	[smem:$0x3FD2] =	sst s25  }
0xa6: {  	s5 =	sshll.u32 s26, $0x1;
	_ =	strace $0x8000004C;
	[dreg:$0x1] =	wrdreg $0xFFFFFFFF  }
0xa7: {  	s28 =	simm.s32 $_size_execute0_lowered;
	s3 =	sadd.s32 s3, s5;
	[dreg:$0x0] =	wrdreg $0x0  }
0xa8: {  	s5 =	sshll.u32 s28, $0x1;
	[dreg:$0x2] =	wrdreg s3  }
0xa9: {  	[dreg:$0x3] =	wrdreg s5  }
0xaa: {  	[dreg:$0x4] =	wrdreg $0xC0  }
0xab: {  	_ =	task [dreg:s7], $0x5FFFF  }
0xac: {  	[dreg:$0x1] =	wrdreg $0xFFFFFFFF  }
0xad: {  	[dreg:$0x0] =	wrdreg $0x60  }
0xae: {  	[dreg:$0x2] =	wrdreg s24  }
0xaf: {  	[dreg:$0x3] =	wrdreg s2  }
0xb0: {  	[dreg:$0x4] =	wrdreg $0xA8800  }
0xb1: {  	[dreg:$0x5] =	wrdreg $0x9  }
0xb2: {  	_ =	task.clear_ibuf [dreg:s7], $0x6FFFF;
	_ =	strace $0x9000004C  }
0xb3: {  	s29 =	simm.s32 $0x9;
	_ =	strace $0x80000051  }
0xb4: {  	_ =	swait.ge [sflag:s29], $0x1  }
0xb5: {  	[sflag:s29] =	ssyncadd.s32 $0xFFFFFFFF  }
0xb6: {  	_ =	strace $0x90000051  }
0xb7: {  	_ =	sfence  }
0xb8: {  	s30 =	sld [smem:$0x0];
	_ =	sdelay $0x2  }
0xb9: {  	s31 =	sshll.u32 s1, $0xD;
	s1 =	sshrl.u32 s1, $0x2  }
0xba: {  	s3 =	sand.u32 $0x4000, s31;
	s1 =	sadd.s32 s1, s30  }
0xbb: {  	s0 =	sor.u32 s3, s0;
	s1 =	sshll.u32 s1, $0x11  }
0xbc: {  	s0 =	sor.u32 s1, s0  }
0xbd: {  	s0 =	sadd.s32 $0x8F2B, s0  }
0xbe: {  	[sflag:s0] =	ssyncadd.remote.s32 $0x1  }
0xbf: {  	_ =	sfence.sel $0xFFFF  }
0xc0: {  	[dreg:$0x0] =	wrdreg $0xFFFFFFFF;
	(pc) =	sbr.abs _section_cstart, $3  }
0xc1: {  	[dreg:$0x1] =	wrdreg $0xFFFFFFFF  }
0xc2: {  	_ =	task.clear_ibuf [dreg:s7], $0x2FFFF;
	_ =	strace $0x9FFFFFFF  }
0xc3: {  	(tm) =	ssettm $0x7FFFFFFF  }
tec
execute0_lowered:
.L_overlay_start_1:
0x0: {  	(tag) =	ssettag $0x1  }
0x1: {  	s7 =	rddreg [dreg:$0x0]  }
0x2: {  	s1 =	rddreg [dreg:$0x1]  }
0x3: {  	s2 =	rddreg [dreg:$0x2]  }
0x4: {  	s3 =	srdreg.scid;
	s0 =	rddreg [dreg:$0x3];
	s4 =	simm.s32 $0x0  }
0x5: {  	s16 =	simm.s32 $0x5;
	s17 =	simm.s32 $0x1400;
	s18 =	simm.s32 $0x80  }
0x6: {  	s19 =	simm.s32 $0x1;
	s20 =	simm.s32 $0x6800;
	s21 =	simm.s32 $0x2  }
0x7: {  	s22 =	simm.s32 $0x3;
	s23 =	simm.s32 $0x4;
	s24 =	simm.s32 $0x2780  }
0x8: {  	s25 =	simm.s32 $0x0;
	s15 =	sand.u32 $0x1, s3;
	s3 =	stileid.u32  }
0x9: {  	[smem:$0x7FF] =	sst s4;
	s5 =	sadd.s32 $0xC800, s7;
	s8 =	smul.u32 $0x28000, s15  }
0xa: {  	s6 =	sadd.s32 $0x2800, s7;
	s9 =	smul.u32 $0x2800, s3;
	_ =	strace $0x8000004D  }
0xb: {  	s10 =	smul.u32 $0x50000, s3;
	s28 =	ssub.s32 $0x2, s15;
	p0 =	seq.s32 s15, $0x0  }
.Ltmp0:
0xc: {  	s15 =	simm.s32 $0x2800;
	s29 =	sshrl.u32 s28, $0x1;
	(pc) =	sbr.rel .LBB2_1-.Ltmp0, $4  }
0xd: {  	s8 =	sadd.s32 s9, s8;
	s30 =	sshrl.u32 s10, $0x2;
	s31 =	ssub.s32 s28, s29  }
0xe: {  	s11 =	sadd.s32 s8, s7;
	s7 =	sadd.s32 s30, s2;
	s8 =	smul.u32 $0xA0, s3  }
0xf: {  	s10 =	smax.u32 s31, $0x1;
	s9 =	sadd.s32 $0x16800, s11;
	s11 =	sadd.s32 $0x4000, s7  }
0x10: {  	v0 =	vimm.f32 $0.0e+00;
	s12 =	sadd.s32 $0x8000, s7;
	s13 =	sadd.s32 $0xC000, s7;
	s14 =	sadd.s32 $0x10000, s7  }
.LBB2_10:
0x11: {  	[bflag:$0x0] =	sbarrier.arrive $0xFFFF;
	s26 =	sshll.u32 s3, $0x6  }
0x12: {  	s28 =	sshrl.u32 s7, $0x3;
	s25 =	sadd.s32 $0x1, s25;
	_ =	strace $0x9000004F  }
0x13: {  	s26 =	sor.u32 $0x1C05, s26;
	p1 =	sne.s32 s25, s10;
	_ =	strace $0x80000050  }
0x14: {  	[hbm:s9], [sflag:s26] =	dma.local [spmem:s28], $0x2800  }
.Ltmp1:
0x15: {  	_ = 	snop;
	(pc) =	sbr.rel @!p1 .LBB2_11-.Ltmp1, $4  }
0x16: {  	_ =	swait.ge [sflag:s16], $0x2800  }
0x17: {  	[sflag:s16] =	ssyncset.done $0x0  }
0x18: {  	[sflag:s16] =	ssyncadd.s32 $0xFFFFD800  }
0x19: {  	_ =	strace $0x90000050  }
.LBB2_1:
0x1a: {  	_ =	strace $0x8000004E;
	s26 =	simm.s32 $0x0;
	s28 =	simm.s32 $0x200  }
.LBB2_2:
0x1b: {  	p1 =	seq.s32 s28, $0xFE00;
	[tilespmem:s26+$0x2870] =	vst v0  }
0x1c: {  	[tilespmem:s26+$0x2800] =	vst v0  }
0x1d: {  	[tilespmem:s26+$0x2810] =	vst v0  }
.Ltmp2:
0x1e: {  	[tilespmem:s26+$0x2820] =	vst v0;
	(pc) =	sbr.rel @!p1 .LBB2_2-.Ltmp2, $4  }
0x1f: {  	[tilespmem:s26+$0x2830] =	vst v0  }
0x20: {  	[tilespmem:s26+$0x2840] =	vst v0  }
0x21: {  	[tilespmem:s26+$0x2850] =	vst v0  }
0x22: {  	[tilespmem:s26+$0x2860] =	vst v0;
	s26 =	sshra.s32 s28, $0x2;
	s28 =	sadd.s32 $0x200, s28  }
0x23: {  	[tilespmem:s26+$0x2870] =	vst v0  }
0x24: {  	[tilespmem:s26+$0x2800] =	vst v0  }
0x25: {  	[tilespmem:s26+$0x2810] =	vst v0  }
0x26: {  	[tilespmem:s26+$0x2820] =	vst v0  }
0x27: {  	[tilespmem:s26+$0x2830] =	vst v0  }
0x28: {  	[tilespmem:s26+$0x2840] =	vst v0  }
0x29: {  	[tilespmem:s26+$0x2850] =	vst v0  }
0x2a: {  	[tilespmem:s26+$0x2860] =	vst v0  }
0x2b: {  	[spmem:s7] =	stream.linear.scatter [tilespmem:s15], [sflag:$0x5], $0x4000, $0x200038;
	[tilespmem:$0x1E880] =	vst v63  }
0x2c: {  	_ =	swait.ge [sflag:s16], $0x4000  }
0x2d: {  	[sflag:s16] =	ssyncset.done $0x0  }
0x2e: {  	[sflag:s16] =	ssyncadd.s32 $0xFFFFC000  }
0x2f: {  	[spmem:s11] =	stream.linear.scatter [tilespmem:s15], [sflag:$0x5], $0x4000, $0x200038;
	[tilespmem:$0x1E880] =	vst v63  }
0x30: {  	_ =	swait.ge [sflag:s16], $0x4000  }
0x31: {  	[sflag:s16] =	ssyncset.done $0x0  }
0x32: {  	[sflag:s16] =	ssyncadd.s32 $0xFFFFC000  }
0x33: {  	[spmem:s12] =	stream.linear.scatter [tilespmem:s15], [sflag:$0x5], $0x4000, $0x200038;
	[tilespmem:$0x1E880] =	vst v63  }
0x34: {  	_ =	swait.ge [sflag:s16], $0x4000  }
0x35: {  	[sflag:s16] =	ssyncset.done $0x0  }
0x36: {  	[sflag:s16] =	ssyncadd.s32 $0xFFFFC000  }
0x37: {  	[spmem:s13] =	stream.linear.scatter [tilespmem:s15], [sflag:$0x5], $0x4000, $0x200038;
	[tilespmem:$0x1E880] =	vst v63  }
0x38: {  	_ =	swait.ge [sflag:s16], $0x4000  }
0x39: {  	[sflag:s16] =	ssyncset.done $0x0  }
0x3a: {  	[sflag:s16] =	ssyncadd.s32 $0xFFFFC000  }
0x3b: {  	[spmem:s14] =	stream.linear.scatter [tilespmem:s15], [sflag:$0x5], $0x4000, $0x200038;
	[tilespmem:$0x1E880] =	vst v63  }
0x3c: {  	_ =	swait.ge [sflag:s16], $0x4000  }
.Ltmp3:
0x3d: {  	[sflag:s16] =	ssyncset.done $0x0;
	(pc) =	sbr.rel @!p0 .LBB2_4-.Ltmp3, $4  }
0x3e: {  	[sflag:s16] =	ssyncadd.s32 $0xFFFFC000  }
0x3f: {  	[bflag:$0x0] =	sbarrier.arrive $0xFFFF  }
0x40: {  	_ =	strace $0x9000004E  }
0x41: {  	s26 =	simm.s32 $0x0;
	_ =	strace $0x8000004F  }
.LBB2_7:
0x42: {  	s28 =	smul.u32 $0x28, s26;
	_ =	sdelay $0x1  }
0x43: {  	s28 =	sadd.s32 s8, s28  }
0x44: {  	s28 =	sshll.u32 s28, $0x4  }
0x45: {  	s29 =	sadd.s32 s5, s28  }
0x46: {  	[tilespmem:s4], [sflag:$0x5] =	stream.linear.gather [hbm4b:s29+s4], $0x1400, $0x200038;
	[tilespmem:$0x1E880] =	vst v63  }
0x47: {  	_ =	swait.ge [sflag:s16], $0x1400  }
0x48: {  	[sflag:s16] =	ssyncset.done $0x0  }
0x49: {  	s28 =	sadd.s32 s6, s28;
	[sflag:s16] =	ssyncadd.s32 $0xFFFFEC00  }
0x4a: {  	[tilespmem:s17], [sflag:$0x5] =	stream.linear.gather [hbm4b:s28+s4], $0x1400, $0x200038;
	[tilespmem:$0x1E880] =	vst v63  }
0x4b: {  	_ =	swait.ge [sflag:s16], $0x1400  }
0x4c: {  	[sflag:s16] =	ssyncset.done $0x0  }
0x4d: {  	[sflag:s16] =	ssyncadd.s32 $0xFFFFEC00  }
0x4e: {  	[tilespmem:s15], [sflag:$0x1] =	stream.indirect.gather [hbm4b:s1+s18], $0x80, s4, s18, $0x2000b8;
	[tilespmem:$0x1E880] =	vst v63  }
0x4f: {  	_ =	swait.ge [sflag:s19], $0x4000  }
0x50: {  	[sflag:s19] =	ssyncset.done $0x0  }
0x51: {  	[sflag:s19] =	ssyncadd.s32 $0xFFFFC000  }
0x52: {  	[tilespmem:s20], [sflag:$0x2] =	stream.indirect.gather [hbm4b:s1+s18], $0x80, s18, s18, $0x2000b8;
	[tilespmem:$0x1E880] =	vst v63  }
0x53: {  	_ = 	snop  }
0x54: {  	[spmem:s2] =	stream.indirect.scatter.add.f32 [tilespmem:s15], [sflag:$0x3], $0x80, s17, s18, $0x2000b8;
	[tilespmem:$0x1E880] =	vst v63  }
0x55: {  	_ =	swait.ge [sflag:s21], $0x4000  }
0x56: {  	[sflag:s21] =	ssyncset.done $0x0  }
0x57: {  	[sflag:s21] =	ssyncadd.s32 $0xFFFFC000  }
0x58: {  	_ =	swait.ge [sflag:s22], $0x4000  }
0x59: {  	[sflag:s22] =	ssyncset.done $0x0  }
0x5a: {  	s28 =	simm.s32 $0x100;
	[sflag:s22] =	ssyncadd.s32 $0xFFFFC000  }
0x5b: {  	[tilespmem:s15], [sflag:$0x1] =	stream.indirect.gather [hbm4b:s1+s18], $0x80, s28, s18, $0x2000b8;
	[tilespmem:$0x1E880] =	vst v63  }
0x5c: {  	s28 =	simm.s32 $0x1480  }
0x5d: {  	[spmem:s2] =	stream.indirect.scatter.add.f32 [tilespmem:s20], [sflag:$0x4], $0x80, s28, s18, $0x2000b8;
	[tilespmem:$0x1E880] =	vst v63  }
0x5e: {  	_ =	swait.ge [sflag:s19], $0x4000  }
0x5f: {  	[sflag:s19] =	ssyncset.done $0x0  }
0x60: {  	[sflag:s19] =	ssyncadd.s32 $0xFFFFC000  }
0x61: {  	_ =	swait.ge [sflag:s23], $0x4000  }
0x62: {  	[sflag:s23] =	ssyncset.done $0x0  }
0x63: {  	s28 =	simm.s32 $0x180;
	[sflag:s23] =	ssyncadd.s32 $0xFFFFC000  }
0x64: {  	[tilespmem:s20], [sflag:$0x2] =	stream.indirect.gather [hbm4b:s1+s18], $0x80, s28, s18, $0x2000b8;
	[tilespmem:$0x1E880] =	vst v63  }
0x65: {  	s29 =	simm.s32 $0x1500;
	s28 =	simm.s32 $0xFFFFB800  }
.LBB2_8:
0x66: {  	[spmem:s2] =	stream.indirect.scatter.add.f32 [tilespmem:s15], [sflag:$0x3], $0x80, s29, s18, $0x2000b8;
	[tilespmem:$0x1E880] =	vst v63  }
0x67: {  	s29 =	smov.u32 s28  }
0x68: {  	p1 =	sne.s32 s28, $0xFFFFFC00;
	s28 =	sadd.s32 $0x400, s28;
	_ =	swait.ge [sflag:s21], $0x4000  }
0x69: {  	[sflag:s21] =	ssyncset.done $0x0  }
0x6a: {  	[sflag:s21] =	ssyncadd.s32 $0xFFFFC000  }
0x6b: {  	_ =	swait.ge [sflag:s22], $0x4000  }
0x6c: {  	s29 =	sshra.s32 s29, $0x2;
	[sflag:s22] =	ssyncset.done $0x0  }
0x6d: {  	s30 =	sadd.s32 $0x1400, s29;
	[sflag:s22] =	ssyncadd.s32 $0xFFFFC000  }
0x6e: {  	[tilespmem:s15], [sflag:$0x1] =	stream.indirect.gather [hbm4b:s1+s18], $0x80, s30, s18, $0x2000b8;
	[tilespmem:$0x1E880] =	vst v63  }
0x6f: {  	s30 =	sadd.s32 $0x2780, s29  }
0x70: {  	[spmem:s2] =	stream.indirect.scatter.add.f32 [tilespmem:s20], [sflag:$0x4], $0x80, s30, s18, $0x2000b8;
	[tilespmem:$0x1E880] =	vst v63  }
0x71: {  	_ =	swait.ge [sflag:s19], $0x4000  }
0x72: {  	[sflag:s19] =	ssyncset.done $0x0  }
0x73: {  	[sflag:s19] =	ssyncadd.s32 $0xFFFFC000  }
.Ltmp4:
0x74: {  	_ =	swait.ge [sflag:s23], $0x4000;
	(pc) =	sbr.rel @p1 .LBB2_8-.Ltmp4, $4  }
0x75: {  	[sflag:s23] =	ssyncset.done $0x0  }
0x76: {  	s30 =	sadd.s32 $0x1480, s29;
	[sflag:s23] =	ssyncadd.s32 $0xFFFFC000  }
0x77: {  	[tilespmem:s20], [sflag:$0x2] =	stream.indirect.gather [hbm4b:s1+s18], $0x80, s30, s18, $0x2000b8;
	[tilespmem:$0x1E880] =	vst v63  }
0x78: {  	s29 =	sadd.s32 $0x2800, s29  }
0x79: {  	[spmem:s2] =	stream.indirect.scatter.add.f32 [tilespmem:s15], [sflag:$0x3], $0x80, s29, s18, $0x2000b8;
	[tilespmem:$0x1E880] =	vst v63  }
0x7a: {  	_ =	swait.ge [sflag:s21], $0x4000  }
0x7b: {  	[sflag:s21] =	ssyncset.done $0x0  }
0x7c: {  	[sflag:s21] =	ssyncadd.s32 $0xFFFFC000  }
0x7d: {  	_ =	swait.ge [sflag:s22], $0x4000  }
0x7e: {  	s26 =	sadd.s32 $0x1, s26;
	[sflag:s22] =	ssyncset.done $0x0  }
0x7f: {  	p1 =	seq.s32 s26, $0x4;
	[sflag:s22] =	ssyncadd.s32 $0xFFFFC000  }
0x80: {  	[spmem:s2] =	stream.indirect.scatter.add.f32 [tilespmem:s20], [sflag:$0x4], $0x80, s24, s18, $0x2000b8;
	[tilespmem:$0x1E880] =	vst v63  }
.Ltmp5:
0x81: {  	_ = 	snop;
	(pc) =	sbr.rel @!p1 .LBB2_7-.Ltmp5, $4  }
.Ltmp6:
0x82: {  	_ = 	snop;
	(pc) =	sbr.rel @p1 .LBB2_10-.Ltmp6, $4  }
0x83: {  	_ =	swait.ge [sflag:s23], $0x4000  }
0x84: {  	[sflag:s23] =	ssyncset.done $0x0  }
0x85: {  	[sflag:s23] =	ssyncadd.s32 $0xFFFFC000  }
0x86: {  	_ = 	snop  }
.LBB2_4:
0x87: {  	v1 =	vimm.f32 $0.0e+00  }
0x88: {  	s26 =	simm.s32 $0x9C3F;
	v1 =	vmul.f32 $1.000000120e+00, v1  }
.LBB2_5:
0x89: {  	p1 =	sne.s32 s26, $0x1  }
.Ltmp7:
0x8a: {  	s26 =	sadd.s32 $0xFFFFFFFF, s26;
	v1 =	vadd.f32 $1.000000000e+00, v1;
	(pc) =	sbr.rel @p1 .LBB2_5-.Ltmp7, $2  }
0x8b: {  	_ =	sdelay $0x2  }
0x8c: {  	v1 =	vmul.f32 $1.000000120e+00, v1  }
.Ltmp8:
0x8d: {  	(pc) =	sbr.rel .LBB2_10-.Ltmp8, $3  }
0x8e: {  	_ = 	snop  }
0x8f: {  	v1 =	vadd.f32 $1.000000000e+00, v1;
	_ =	sdelay $0x1  }
0x90: {  	[tilespmem:$0xA800] =	vst v1  }
.LBB2_11:
0x91: {  	_ =	sfence.sel $0x180000  }
0x92: {  	[bflag:$0x0] =	sbarrier.arrive $0xFFFF  }
0x93: {  	p0 =	sne.s32 s3, $0x0;
	_ =	strace $0x9000004D  }
0x94: {  	s0 =	sadd.s32 @!p0 $0x100000, s0;
	[bflag:$0x2] =	sbarrier.arrive $0xFFFF  }
0x95: {  	[sflag:s0] =	ssyncadd.tile.s32 @!p0 $0x1;
	_ =	shalt  }
.Lfunc_end2:
_tile_overlayer_lowered:
.L_overlay_start_2:
0x96: {  	(tag) =	ssettag $0x2  }
0x97: {  	s0 =	rddreg [dreg:$0x0];
	s2 =	stileid.u32  }
0x98: {  	s1 =	rddreg [dreg:$0x1];
	p0 =	sne.s32 s2, $0x0  }
0x99: {  	s3 =	rddreg [dreg:$0x2];
	[bflag:$0x3] =	sbarrier.arrive $0xFFFF;
	s2 =	simm.s32 @!p0 $0x1C05  }
0x9a: {  	[timem:s3], [sflag:s2] =	dma.local @!p0 [hbm:s0], s1  }
0x9b: {  	s0 =	simm.s32 @!p0 $0x5  }
0x9c: {  	_ =	swait.ge @!p0 [sflag:s0], s1  }
0x9d: {  	s1 =	ssub.s32 @!p0 $0x0, s1;
	[sflag:s0] =	ssyncset.done @!p0 $0x0  }
0x9e: {  	[sflag:s0] =	ssyncadd.s32 @!p0 s1  }
0x9f: {  	[bflag:$0x3] =	sbarrier.arrive $0xFFFF  }
0xa0: {  	_ =	shalt  }

// kernel: kernel.8.cloned.1.call-start
scs
__scs_entry_jumppad:
0x0: {  	(pc) =	sbr.rel $0x88, $3  }
0x1: {  	(tag) =	ssettag $0x0;
	lr =	simm.s32 $0x1  }
0x2: {  	[smem:$0x3F95] =	sst lr;
	_ =	strace $0xD0000000  }
0x3: {  	_ = 	snop  }
0x4: {  	_ = 	snop  }
0x5: {  	_ = 	snop  }
0x6: {  	_ = 	snop  }
0x7: {  	_ = 	snop  }
__scs_overlays_trampoline_lowered:
0x8: {  	[smem:$0x3FA4] =	sst s0  }
0x9: {  	[smem:$0x3FA5] =	sst s1  }
0xa: {  	[smem:$0x3FA6] =	sst s2  }
0xb: {  	[smem:$0x3FA7] =	sst s3  }
0xc: {  	[smem:$0x3FA8] =	sst s4  }
0xd: {  	[smem:$0x3FA9] =	sst s5  }
0xe: {  	[smem:$0x3FAA] =	sst s6  }
0xf: {  	[smem:$0x3FAB] =	sst s7  }
0x10: {  	[smem:$0x3FAC] =	sst s8  }
0x11: {  	[smem:$0x3FAD] =	sst s9;
	s0 =	simm.s32 @!p0 $0x0  }
0x12: {  	s1 =	sld [smem:$0x3F93];
	s0 =	simm.s32 @p0 $0x1  }
0x13: {  	[smem:$0x3FAE] =	sst s0;
	s0 =	simm.s32 @!p1 $0x0  }
0x14: {  	s2 =	sld [smem:$0x3F92];
	s0 =	simm.s32 @p1 $0x1  }
0x15: {  	[smem:$0x3FAF] =	sst s0;
	s0 =	simm.s32 @!p2 $0x0  }
0x16: {  	s3 =	sld [smem:$0x3FDB];
	s0 =	simm.s32 @p2 $0x1  }
0x17: {  	s4 =	simm.s32 $0x1BF5;
	[smem:$0x3FB1] =	sst s0  }
0x18: {  	s0 =	sld [smem:$0x3F94];
	_ =	swait.ge [sflag:s4], $0x0  }
0x19: {  	s7 =	sld [smem:$0x3F95]  }
0x1a: {  	s8 =	sadd.s32 $0xFFFFE003, lr  }
0x1b: {  	s9 =	sadd.s32 $0xFFFFFEF7, lr;
	s5 =	simm.s32 $0xFFFFFFFF;
	p2 =	slt.u32 s8, $0xFFFFF086  }
0x1c: {  	p1 =	slt.u32 s9, $0xF7A;
	s5 =	simm.s32 @!p2 $0x0  }
0x1d: {  	s5 =	simm.s32 @p1 $0x1;
	p0 =	seq.s32 s7, s2  }
0x1e: {  	s7 =	smul.u32 @!p0 $0xF7A, s2;
	p2 =	seq.s32 @!p0 s5, $0x0  }
0x1f: {  	s9 =	smul.u32 $0xF7A, s1;
	s8 =	simm.s32 @!p0 $0x1BF5;
	p2 =	por !p2, p0  }
0x20: {  	[sflag:s8] =	ssyncset.s32 @!p0 $0xFFFFF086;
	s6 =	sadd.s32 @!p0 s3, s7;
	s7 =	simm.s32 @!p0 $0x108  }
0x21: {  	s3 =	sadd.s32 s3, s9;
	s6 =	sadd.s32 @!p0 $0x88, s6;
	s7 =	simm.s32 @p2 $0x1082  }
0x22: {  	[simem:s7], [sflag:s8] =	dma.local @!p0 [hbm:s6], $0xF7A  }
0x23: {  	s9 =	sor.u32 $0xD0000000, s2;
	s6 =	simm.s32 $0x108;
	_ =	swait.ge @!p0 [sflag:s8], $0x0  }
0x24: {  	s3 =	sadd.s32 $0x88, s3;
	s6 =	simm.s32 @!p1 $0x1082;
	[sflag:s4] =	ssyncset.s32 $0xFFFFF086  }
0x25: {  	[simem:s6], [sflag:s4] =	dma.local [hbm:s3], $0xF7A  }
0x26: {  	[smem:$0x3F95] =	sst s1;
	(tag) =	ssettag s2;
	_ =	strace s9  }
0x27: {  	s1 =	sld [smem:$0x3FA5]  }
0x28: {  	s2 =	sld [smem:$0x3FA6]  }
0x29: {  	s4 =	sld [smem:$0x3FA8]  }
0x2a: {  	p0 =	seq.s32 s5, $0x0;
	s5 =	sld [smem:$0x3FA9]  }
0x2b: {  	s6 =	sld [smem:$0x3FAA]  }
0x2c: {  	s7 =	sld [smem:$0x3FAB]  }
0x2d: {  	s3 =	simm.s32 $0x108;
	s8 =	sld [smem:$0x3FAC]  }
0x2e: {  	s3 =	simm.s32 @!p0 $0x1082;
	s9 =	sld [smem:$0x3FAD]  }
0x2f: {  	lr =	sadd.s32 s0, s3;
	s0 =	sld [smem:$0x3FA4]  }
0x30: {  	s3 =	sld [smem:$0x3FA7]  }
0x31: {  	[smem:$0x3FB0] =	sst s10  }
0x32: {  	s10 =	sld [smem:$0x3FAE];
	_ =	sdelay $0x3  }
0x33: {  	p0 =	seq.s32 s10, $0x1;
	s10 =	sld [smem:$0x3FB0];
	_ =	sdelay $0x3  }
0x34: {  	[smem:$0x3FB0] =	sst s10  }
0x35: {  	s10 =	sld [smem:$0x3FAF];
	_ =	sdelay $0x3  }
0x36: {  	p1 =	seq.s32 s10, $0x1;
	s10 =	sld [smem:$0x3FB0];
	_ =	sdelay $0x3  }
0x37: {  	[smem:$0x3FB0] =	sst s10  }
0x38: {  	s10 =	sld [smem:$0x3FB1]  }
0x39: {  	_ = 	snop;
	(pc) =	sbr.ind lr, $3  }
0x3a: {  	_ = 	snop  }
0x3b: {  	_ = 	snop  }
0x3c: {  	p2 =	seq.s32 s10, $0x1;
	s10 =	sld [smem:$0x3FB0]  }
0x3d: {  	_ =	shalt  }
0x3e: {  	_ =	shalt  }
0x3f: {  	_ =	shalt  }
0x40: {  	_ =	shalt  }
0x41: {  	_ =	shalt  }
0x42: {  	_ =	shalt  }
0x43: {  	_ =	shalt  }
0x44: {  	_ =	shalt  }
0x45: {  	_ =	shalt  }
0x46: {  	_ =	shalt  }
0x47: {  	_ =	shalt  }
0x48: {  	_ =	shalt  }
0x49: {  	_ =	shalt  }
0x4a: {  	_ =	shalt  }
0x4b: {  	_ =	shalt  }
0x4c: {  	_ =	shalt  }
0x4d: {  	_ =	shalt  }
0x4e: {  	_ =	shalt  }
0x4f: {  	_ =	shalt  }
0x50: {  	_ =	shalt  }
0x51: {  	_ =	shalt  }
0x52: {  	_ =	shalt  }
0x53: {  	_ =	shalt  }
0x54: {  	_ =	shalt  }
0x55: {  	_ =	shalt  }
0x56: {  	_ =	shalt  }
0x57: {  	_ =	shalt  }
0x58: {  	_ =	shalt  }
0x59: {  	_ =	shalt  }
0x5a: {  	_ =	shalt  }
0x5b: {  	_ =	shalt  }
0x5c: {  	_ =	shalt  }
0x5d: {  	_ =	shalt  }
0x5e: {  	_ =	shalt  }
0x5f: {  	_ =	shalt  }
0x60: {  	_ =	shalt  }
0x61: {  	_ =	shalt  }
0x62: {  	_ =	shalt  }
0x63: {  	_ =	shalt  }
0x64: {  	_ =	shalt  }
0x65: {  	_ =	shalt  }
0x66: {  	_ =	shalt  }
0x67: {  	_ =	shalt  }
0x68: {  	_ =	shalt  }
0x69: {  	_ =	shalt  }
0x6a: {  	_ =	shalt  }
0x6b: {  	_ =	shalt  }
0x6c: {  	_ =	shalt  }
0x6d: {  	_ =	shalt  }
0x6e: {  	_ =	shalt  }
0x6f: {  	_ =	shalt  }
0x70: {  	_ =	shalt  }
0x71: {  	_ =	shalt  }
0x72: {  	_ =	shalt  }
0x73: {  	_ =	shalt  }
0x74: {  	_ =	shalt  }
0x75: {  	_ =	shalt  }
0x76: {  	_ =	shalt  }
0x77: {  	_ =	shalt  }
0x78: {  	_ =	shalt  }
0x79: {  	_ =	shalt  }
0x7a: {  	_ =	shalt  }
0x7b: {  	_ =	shalt  }
0x7c: {  	_ =	shalt  }
0x7d: {  	_ =	shalt  }
0x7e: {  	_ =	shalt  }
0x7f: {  	_ =	shalt  }
0x80: {  	_ =	shalt  }
0x81: {  	_ =	shalt  }
0x82: {  	_ =	shalt  }
0x83: {  	_ =	shalt  }
0x84: {  	_ =	shalt  }
0x85: {  	_ =	shalt  }
0x86: {  	_ =	shalt  }
0x87: {  	_ =	shalt  }
.Lfunc_end0:
.L_simem_size_0:
called_computation_lowered:
.L_overlay_start_0:
0x88: {  	s2 =	sld [smem:$0x3FD9]  }
0x89: {  	s3 =	sld [smem:$0x3FFE];
	_ =	sdelay $0x1  }
0x8a: {  	s1 =	srdreg.scid  }
0x8b: {  	s0 =	sand.u32 $0x1, s1  }
0x8c: {  	s17 =	sshll.u32 s0, $0xA;
	s2 =	sadd.s32 s3, s2  }
0x8d: {  	s2 =	sadd.s32 s2, s17  }
0x8e: {  	[smem:$0x3FBC] =	sst s2  }
0x8f: {  	_ = 	snop  }
0x90: {  	s2 =	sld [smem:$0x3FC9];
	(tm) =	ssettm $0x1  }
0x91: {  	s18 =	sld [smem:$0x3FFB];
	_ =	sdelay $0x3  }
0x92: {  	_ =	strace s18  }
0x93: {  	s3 =	sld [smem:$0x3FFC];
	_ =	sdelay $0x3  }
0x94: {  	_ =	strace s3  }
0x95: {  	s3 =	sld [smem:$0x3FFD];
	_ =	sdelay $0x3  }
0x96: {  	_ =	strace s3  }
0x97: {  	_ =	strace $0x8FFFFFFF  }
0x98: {  	s19 =	sld [smem:$0x3FDB];
	_ =	sdelay $0x1  }
0x99: {  	s4 =	simm.s32 $_scs_section_size  }
0x9a: {  	s5 =	simm.s32 $_size__tile_overlayer_lowered;
	s6 =	simm.s32 $_tile_overlayer_lowered  }
0x9b: {  	s22 =	simm.s32 $0x1BFF;
	s21 =	sshll.u32 s6, $0x1;
	s3 =	sadd.s32 s4, s19  }
0x9c: {  	s7 =	simm.s32 $0x0;
	s20 =	sshll.u32 s5, $0x1;
	s5 =	sadd.s32 s21, s3  }
0x9d: {  	[timem:s7], [sflag:s22] =	dma.local [hbm:s5], s20  }
0x9e: {  	_ =	swait.ge [sflag:s22], s20  }
0x9f: {  	s4 =	ssub.s32 $0x0, s20;
	[sflag:s22] =	ssyncset.done $0x0  }
0xa0: {  	[sflag:s22] =	ssyncadd.s32 s4;
	_ =	sdelay $0x1  }
0xa1: {  	s23 =	simm.s32 $0x1B8B  }
0xa2: {  	_ =	swait.ge [sflag:s23], $0x1  }
0xa3: {  	[sflag:s23] =	ssyncset.done $0x0  }
0xa4: {  	s25 =	simm.s32 $0x1B8E;
	s24 =	sld [smem:$0x3FFE];
	[sflag:s23] =	ssyncadd.s32 $0xFFFFFFFF  }
0xa5: {  	s26 =	simm.s32 $execute0_lowered;
	[smem:$0x3FD2] =	sst s25  }
0xa6: {  	s5 =	sshll.u32 s26, $0x1;
	_ =	strace $0x80000046;
	[dreg:$0x1] =	wrdreg $0xFFFFFFFF  }
0xa7: {  	s28 =	simm.s32 $_size_execute0_lowered;
	s3 =	sadd.s32 s3, s5;
	[dreg:$0x0] =	wrdreg $0x0  }
0xa8: {  	s5 =	sshll.u32 s28, $0x1;
	[dreg:$0x2] =	wrdreg s3  }
0xa9: {  	[dreg:$0x3] =	wrdreg s5  }
0xaa: {  	[dreg:$0x4] =	wrdreg $0xC0  }
0xab: {  	_ =	task [dreg:s7], $0x5FFFF  }
0xac: {  	[dreg:$0x1] =	wrdreg $0xFFFFFFFF  }
0xad: {  	[dreg:$0x0] =	wrdreg $0x60  }
0xae: {  	[dreg:$0x2] =	wrdreg s24  }
0xaf: {  	[dreg:$0x3] =	wrdreg s2  }
0xb0: {  	[dreg:$0x4] =	wrdreg $0xA8800  }
0xb1: {  	[dreg:$0x5] =	wrdreg $0x9  }
0xb2: {  	_ =	task.clear_ibuf [dreg:s7], $0x6FFFF;
	_ =	strace $0x90000046  }
0xb3: {  	s29 =	simm.s32 $0x9;
	_ =	strace $0x8000004B  }
0xb4: {  	_ =	swait.ge [sflag:s29], $0x1  }
0xb5: {  	[sflag:s29] =	ssyncadd.s32 $0xFFFFFFFF  }
0xb6: {  	_ =	strace $0x9000004B  }
0xb7: {  	_ =	sfence  }
0xb8: {  	s30 =	sld [smem:$0x0];
	_ =	sdelay $0x2  }
0xb9: {  	s31 =	sshll.u32 s1, $0xD;
	s1 =	sshrl.u32 s1, $0x2  }
0xba: {  	s3 =	sand.u32 $0x4000, s31;
	s1 =	sadd.s32 s1, s30  }
0xbb: {  	s0 =	sor.u32 s3, s0;
	s1 =	sshll.u32 s1, $0x11  }
0xbc: {  	s0 =	sor.u32 s1, s0  }
0xbd: {  	s0 =	sadd.s32 $0x8F2B, s0  }
0xbe: {  	[sflag:s0] =	ssyncadd.remote.s32 $0x1  }
0xbf: {  	_ =	sfence.sel $0xFFFF  }
0xc0: {  	[dreg:$0x0] =	wrdreg $0xFFFFFFFF;
	(pc) =	sbr.abs _section_cstart, $3  }
0xc1: {  	[dreg:$0x1] =	wrdreg $0xFFFFFFFF  }
0xc2: {  	_ =	task.clear_ibuf [dreg:s7], $0x2FFFF;
	_ =	strace $0x9FFFFFFF  }
0xc3: {  	(tm) =	ssettm $0x7FFFFFFF  }
tec
execute0_lowered:
.L_overlay_start_1:
0x0: {  	(tag) =	ssettag $0x1  }
0x1: {  	s7 =	rddreg [dreg:$0x0]  }
0x2: {  	s1 =	rddreg [dreg:$0x1]  }
0x3: {  	s2 =	rddreg [dreg:$0x2]  }
0x4: {  	s3 =	srdreg.scid;
	s0 =	rddreg [dreg:$0x3];
	s4 =	simm.s32 $0x0  }
0x5: {  	s16 =	simm.s32 $0x5;
	s17 =	simm.s32 $0x1400;
	s18 =	simm.s32 $0x80  }
0x6: {  	s19 =	simm.s32 $0x1;
	s20 =	simm.s32 $0x6800;
	s21 =	simm.s32 $0x2  }
0x7: {  	s22 =	simm.s32 $0x3;
	s23 =	simm.s32 $0x4;
	s24 =	simm.s32 $0x2780  }
0x8: {  	s25 =	simm.s32 $0x0;
	s15 =	sand.u32 $0x1, s3;
	s3 =	stileid.u32  }
0x9: {  	[smem:$0x7FF] =	sst s4;
	s5 =	sadd.s32 $0xC800, s7;
	s8 =	smul.u32 $0x28000, s15  }
0xa: {  	s6 =	sadd.s32 $0x2800, s7;
	s9 =	smul.u32 $0x2800, s3;
	_ =	strace $0x80000047  }
0xb: {  	s10 =	smul.u32 $0x50000, s3;
	s28 =	ssub.s32 $0x2, s15;
	p0 =	seq.s32 s15, $0x0  }
.Ltmp0:
0xc: {  	s15 =	simm.s32 $0x2800;
	s29 =	sshrl.u32 s28, $0x1;
	(pc) =	sbr.rel .LBB2_1-.Ltmp0, $4  }
0xd: {  	s8 =	sadd.s32 s9, s8;
	s30 =	sshrl.u32 s10, $0x2;
	s31 =	ssub.s32 s28, s29  }
0xe: {  	s11 =	sadd.s32 s8, s7;
	s7 =	sadd.s32 s30, s2;
	s8 =	smul.u32 $0xA0, s3  }
0xf: {  	s10 =	smax.u32 s31, $0x1;
	s9 =	sadd.s32 $0x16800, s11;
	s11 =	sadd.s32 $0x4000, s7  }
0x10: {  	v0 =	vimm.f32 $0.0e+00;
	s12 =	sadd.s32 $0x8000, s7;
	s13 =	sadd.s32 $0xC000, s7;
	s14 =	sadd.s32 $0x10000, s7  }
.LBB2_10:
0x11: {  	[bflag:$0x0] =	sbarrier.arrive $0xFFFF;
	s26 =	sshll.u32 s3, $0x6  }
0x12: {  	s28 =	sshrl.u32 s7, $0x3;
	s25 =	sadd.s32 $0x1, s25;
	_ =	strace $0x90000049  }
0x13: {  	s26 =	sor.u32 $0x1C05, s26;
	p1 =	sne.s32 s25, s10;
	_ =	strace $0x8000004A  }
0x14: {  	[hbm:s9], [sflag:s26] =	dma.local [spmem:s28], $0x2800  }
.Ltmp1:
0x15: {  	_ = 	snop;
	(pc) =	sbr.rel @!p1 .LBB2_11-.Ltmp1, $4  }
0x16: {  	_ =	swait.ge [sflag:s16], $0x2800  }
0x17: {  	[sflag:s16] =	ssyncset.done $0x0  }
0x18: {  	[sflag:s16] =	ssyncadd.s32 $0xFFFFD800  }
0x19: {  	_ =	strace $0x9000004A  }
.LBB2_1:
0x1a: {  	_ =	strace $0x80000048;
	s26 =	simm.s32 $0x0;
	s28 =	simm.s32 $0x200  }
.LBB2_2:
0x1b: {  	p1 =	seq.s32 s28, $0xFE00;
	[tilespmem:s26+$0x2870] =	vst v0  }
0x1c: {  	[tilespmem:s26+$0x2800] =	vst v0  }
0x1d: {  	[tilespmem:s26+$0x2810] =	vst v0  }
.Ltmp2:
0x1e: {  	[tilespmem:s26+$0x2820] =	vst v0;
	(pc) =	sbr.rel @!p1 .LBB2_2-.Ltmp2, $4  }
0x1f: {  	[tilespmem:s26+$0x2830] =	vst v0  }
0x20: {  	[tilespmem:s26+$0x2840] =	vst v0  }
0x21: {  	[tilespmem:s26+$0x2850] =	vst v0  }
0x22: {  	[tilespmem:s26+$0x2860] =	vst v0;
	s26 =	sshra.s32 s28, $0x2;
	s28 =	sadd.s32 $0x200, s28  }
0x23: {  	[tilespmem:s26+$0x2870] =	vst v0  }
0x24: {  	[tilespmem:s26+$0x2800] =	vst v0  }
0x25: {  	[tilespmem:s26+$0x2810] =	vst v0  }
0x26: {  	[tilespmem:s26+$0x2820] =	vst v0  }
0x27: {  	[tilespmem:s26+$0x2830] =	vst v0  }
0x28: {  	[tilespmem:s26+$0x2840] =	vst v0  }
0x29: {  	[tilespmem:s26+$0x2850] =	vst v0  }
0x2a: {  	[tilespmem:s26+$0x2860] =	vst v0  }
0x2b: {  	[spmem:s7] =	stream.linear.scatter [tilespmem:s15], [sflag:$0x5], $0x4000, $0x200038;
	[tilespmem:$0x1E880] =	vst v63  }
0x2c: {  	_ =	swait.ge [sflag:s16], $0x4000  }
0x2d: {  	[sflag:s16] =	ssyncset.done $0x0  }
0x2e: {  	[sflag:s16] =	ssyncadd.s32 $0xFFFFC000  }
0x2f: {  	[spmem:s11] =	stream.linear.scatter [tilespmem:s15], [sflag:$0x5], $0x4000, $0x200038;
	[tilespmem:$0x1E880] =	vst v63  }
0x30: {  	_ =	swait.ge [sflag:s16], $0x4000  }
0x31: {  	[sflag:s16] =	ssyncset.done $0x0  }
0x32: {  	[sflag:s16] =	ssyncadd.s32 $0xFFFFC000  }
0x33: {  	[spmem:s12] =	stream.linear.scatter [tilespmem:s15], [sflag:$0x5], $0x4000, $0x200038;
	[tilespmem:$0x1E880] =	vst v63  }
0x34: {  	_ =	swait.ge [sflag:s16], $0x4000  }
0x35: {  	[sflag:s16] =	ssyncset.done $0x0  }
0x36: {  	[sflag:s16] =	ssyncadd.s32 $0xFFFFC000  }
0x37: {  	[spmem:s13] =	stream.linear.scatter [tilespmem:s15], [sflag:$0x5], $0x4000, $0x200038;
	[tilespmem:$0x1E880] =	vst v63  }
0x38: {  	_ =	swait.ge [sflag:s16], $0x4000  }
0x39: {  	[sflag:s16] =	ssyncset.done $0x0  }
0x3a: {  	[sflag:s16] =	ssyncadd.s32 $0xFFFFC000  }
0x3b: {  	[spmem:s14] =	stream.linear.scatter [tilespmem:s15], [sflag:$0x5], $0x4000, $0x200038;
	[tilespmem:$0x1E880] =	vst v63  }
0x3c: {  	_ =	swait.ge [sflag:s16], $0x4000  }
.Ltmp3:
0x3d: {  	[sflag:s16] =	ssyncset.done $0x0;
	(pc) =	sbr.rel @!p0 .LBB2_4-.Ltmp3, $4  }
0x3e: {  	[sflag:s16] =	ssyncadd.s32 $0xFFFFC000  }
0x3f: {  	[bflag:$0x0] =	sbarrier.arrive $0xFFFF  }
0x40: {  	_ =	strace $0x90000048  }
0x41: {  	s26 =	simm.s32 $0x0;
	_ =	strace $0x80000049  }
.LBB2_7:
0x42: {  	s28 =	smul.u32 $0x28, s26;
	_ =	sdelay $0x1  }
0x43: {  	s28 =	sadd.s32 s8, s28  }
0x44: {  	s28 =	sshll.u32 s28, $0x4  }
0x45: {  	s29 =	sadd.s32 s5, s28  }
0x46: {  	[tilespmem:s4], [sflag:$0x5] =	stream.linear.gather [hbm4b:s29+s4], $0x1400, $0x200038;
	[tilespmem:$0x1E880] =	vst v63  }
0x47: {  	_ =	swait.ge [sflag:s16], $0x1400  }
0x48: {  	[sflag:s16] =	ssyncset.done $0x0  }
0x49: {  	s28 =	sadd.s32 s6, s28;
	[sflag:s16] =	ssyncadd.s32 $0xFFFFEC00  }
0x4a: {  	[tilespmem:s17], [sflag:$0x5] =	stream.linear.gather [hbm4b:s28+s4], $0x1400, $0x200038;
	[tilespmem:$0x1E880] =	vst v63  }
0x4b: {  	_ =	swait.ge [sflag:s16], $0x1400  }
0x4c: {  	[sflag:s16] =	ssyncset.done $0x0  }
0x4d: {  	[sflag:s16] =	ssyncadd.s32 $0xFFFFEC00  }
0x4e: {  	[tilespmem:s15], [sflag:$0x1] =	stream.indirect.gather [hbm4b:s1+s18], $0x80, s4, s18, $0x2000b8;
	[tilespmem:$0x1E880] =	vst v63  }
0x4f: {  	_ =	swait.ge [sflag:s19], $0x4000  }
0x50: {  	[sflag:s19] =	ssyncset.done $0x0  }
0x51: {  	[sflag:s19] =	ssyncadd.s32 $0xFFFFC000  }
0x52: {  	[tilespmem:s20], [sflag:$0x2] =	stream.indirect.gather [hbm4b:s1+s18], $0x80, s18, s18, $0x2000b8;
	[tilespmem:$0x1E880] =	vst v63  }
0x53: {  	_ = 	snop  }
0x54: {  	[spmem:s2] =	stream.indirect.scatter.add.f32 [tilespmem:s15], [sflag:$0x3], $0x80, s17, s18, $0x2000b8;
	[tilespmem:$0x1E880] =	vst v63  }
0x55: {  	_ =	swait.ge [sflag:s21], $0x4000  }
0x56: {  	[sflag:s21] =	ssyncset.done $0x0  }
0x57: {  	[sflag:s21] =	ssyncadd.s32 $0xFFFFC000  }
0x58: {  	_ =	swait.ge [sflag:s22], $0x4000  }
0x59: {  	[sflag:s22] =	ssyncset.done $0x0  }
0x5a: {  	s28 =	simm.s32 $0x100;
	[sflag:s22] =	ssyncadd.s32 $0xFFFFC000  }
0x5b: {  	[tilespmem:s15], [sflag:$0x1] =	stream.indirect.gather [hbm4b:s1+s18], $0x80, s28, s18, $0x2000b8;
	[tilespmem:$0x1E880] =	vst v63  }
0x5c: {  	s28 =	simm.s32 $0x1480  }
0x5d: {  	[spmem:s2] =	stream.indirect.scatter.add.f32 [tilespmem:s20], [sflag:$0x4], $0x80, s28, s18, $0x2000b8;
	[tilespmem:$0x1E880] =	vst v63  }
0x5e: {  	_ =	swait.ge [sflag:s19], $0x4000  }
0x5f: {  	[sflag:s19] =	ssyncset.done $0x0  }
0x60: {  	[sflag:s19] =	ssyncadd.s32 $0xFFFFC000  }
0x61: {  	_ =	swait.ge [sflag:s23], $0x4000  }
0x62: {  	[sflag:s23] =	ssyncset.done $0x0  }
0x63: {  	s28 =	simm.s32 $0x180;
	[sflag:s23] =	ssyncadd.s32 $0xFFFFC000  }
0x64: {  	[tilespmem:s20], [sflag:$0x2] =	stream.indirect.gather [hbm4b:s1+s18], $0x80, s28, s18, $0x2000b8;
	[tilespmem:$0x1E880] =	vst v63  }
0x65: {  	s29 =	simm.s32 $0x1500;
	s28 =	simm.s32 $0xFFFFB800  }
.LBB2_8:
0x66: {  	[spmem:s2] =	stream.indirect.scatter.add.f32 [tilespmem:s15], [sflag:$0x3], $0x80, s29, s18, $0x2000b8;
	[tilespmem:$0x1E880] =	vst v63  }
0x67: {  	s29 =	smov.u32 s28  }
0x68: {  	p1 =	sne.s32 s28, $0xFFFFFC00;
	s28 =	sadd.s32 $0x400, s28;
	_ =	swait.ge [sflag:s21], $0x4000  }
0x69: {  	[sflag:s21] =	ssyncset.done $0x0  }
0x6a: {  	[sflag:s21] =	ssyncadd.s32 $0xFFFFC000  }
0x6b: {  	_ =	swait.ge [sflag:s22], $0x4000  }
0x6c: {  	s29 =	sshra.s32 s29, $0x2;
	[sflag:s22] =	ssyncset.done $0x0  }
0x6d: {  	s30 =	sadd.s32 $0x1400, s29;
	[sflag:s22] =	ssyncadd.s32 $0xFFFFC000  }
0x6e: {  	[tilespmem:s15], [sflag:$0x1] =	stream.indirect.gather [hbm4b:s1+s18], $0x80, s30, s18, $0x2000b8;
	[tilespmem:$0x1E880] =	vst v63  }
0x6f: {  	s30 =	sadd.s32 $0x2780, s29  }
0x70: {  	[spmem:s2] =	stream.indirect.scatter.add.f32 [tilespmem:s20], [sflag:$0x4], $0x80, s30, s18, $0x2000b8;
	[tilespmem:$0x1E880] =	vst v63  }
0x71: {  	_ =	swait.ge [sflag:s19], $0x4000  }
0x72: {  	[sflag:s19] =	ssyncset.done $0x0  }
0x73: {  	[sflag:s19] =	ssyncadd.s32 $0xFFFFC000  }
.Ltmp4:
0x74: {  	_ =	swait.ge [sflag:s23], $0x4000;
	(pc) =	sbr.rel @p1 .LBB2_8-.Ltmp4, $4  }
0x75: {  	[sflag:s23] =	ssyncset.done $0x0  }
0x76: {  	s30 =	sadd.s32 $0x1480, s29;
	[sflag:s23] =	ssyncadd.s32 $0xFFFFC000  }
0x77: {  	[tilespmem:s20], [sflag:$0x2] =	stream.indirect.gather [hbm4b:s1+s18], $0x80, s30, s18, $0x2000b8;
	[tilespmem:$0x1E880] =	vst v63  }
0x78: {  	s29 =	sadd.s32 $0x2800, s29  }
0x79: {  	[spmem:s2] =	stream.indirect.scatter.add.f32 [tilespmem:s15], [sflag:$0x3], $0x80, s29, s18, $0x2000b8;
	[tilespmem:$0x1E880] =	vst v63  }
0x7a: {  	_ =	swait.ge [sflag:s21], $0x4000  }
0x7b: {  	[sflag:s21] =	ssyncset.done $0x0  }
0x7c: {  	[sflag:s21] =	ssyncadd.s32 $0xFFFFC000  }
0x7d: {  	_ =	swait.ge [sflag:s22], $0x4000  }
0x7e: {  	s26 =	sadd.s32 $0x1, s26;
	[sflag:s22] =	ssyncset.done $0x0  }
0x7f: {  	p1 =	seq.s32 s26, $0x4;
	[sflag:s22] =	ssyncadd.s32 $0xFFFFC000  }
0x80: {  	[spmem:s2] =	stream.indirect.scatter.add.f32 [tilespmem:s20], [sflag:$0x4], $0x80, s24, s18, $0x2000b8;
	[tilespmem:$0x1E880] =	vst v63  }
.Ltmp5:
0x81: {  	_ = 	snop;
	(pc) =	sbr.rel @!p1 .LBB2_7-.Ltmp5, $4  }
.Ltmp6:
0x82: {  	_ = 	snop;
	(pc) =	sbr.rel @p1 .LBB2_10-.Ltmp6, $4  }
0x83: {  	_ =	swait.ge [sflag:s23], $0x4000  }
0x84: {  	[sflag:s23] =	ssyncset.done $0x0  }
0x85: {  	[sflag:s23] =	ssyncadd.s32 $0xFFFFC000  }
0x86: {  	_ = 	snop  }
.LBB2_4:
0x87: {  	v1 =	vimm.f32 $0.0e+00  }
0x88: {  	s26 =	simm.s32 $0x9C3F;
	v1 =	vmul.f32 $1.000000120e+00, v1  }
.LBB2_5:
0x89: {  	p1 =	sne.s32 s26, $0x1  }
.Ltmp7:
0x8a: {  	s26 =	sadd.s32 $0xFFFFFFFF, s26;
	v1 =	vadd.f32 $1.000000000e+00, v1;
	(pc) =	sbr.rel @p1 .LBB2_5-.Ltmp7, $2  }
0x8b: {  	_ =	sdelay $0x2  }
0x8c: {  	v1 =	vmul.f32 $1.000000120e+00, v1  }
.Ltmp8:
0x8d: {  	(pc) =	sbr.rel .LBB2_10-.Ltmp8, $3  }
0x8e: {  	_ = 	snop  }
0x8f: {  	v1 =	vadd.f32 $1.000000000e+00, v1;
	_ =	sdelay $0x1  }
0x90: {  	[tilespmem:$0xA800] =	vst v1  }
.LBB2_11:
0x91: {  	_ =	sfence.sel $0x180000  }
0x92: {  	[bflag:$0x0] =	sbarrier.arrive $0xFFFF  }
0x93: {  	p0 =	sne.s32 s3, $0x0;
	_ =	strace $0x90000047  }
0x94: {  	s0 =	sadd.s32 @!p0 $0x100000, s0;
	[bflag:$0x2] =	sbarrier.arrive $0xFFFF  }
0x95: {  	[sflag:s0] =	ssyncadd.tile.s32 @!p0 $0x1;
	_ =	shalt  }
.Lfunc_end2:
_tile_overlayer_lowered:
.L_overlay_start_2:
0x96: {  	(tag) =	ssettag $0x2  }
0x97: {  	s0 =	rddreg [dreg:$0x0];
	s2 =	stileid.u32  }
0x98: {  	s1 =	rddreg [dreg:$0x1];
	p0 =	sne.s32 s2, $0x0  }
0x99: {  	s3 =	rddreg [dreg:$0x2];
	[bflag:$0x3] =	sbarrier.arrive $0xFFFF;
	s2 =	simm.s32 @!p0 $0x1C05  }
0x9a: {  	[timem:s3], [sflag:s2] =	dma.local @!p0 [hbm:s0], s1  }
0x9b: {  	s0 =	simm.s32 @!p0 $0x5  }
0x9c: {  	_ =	swait.ge @!p0 [sflag:s0], s1  }
0x9d: {  	s1 =	ssub.s32 @!p0 $0x0, s1;
	[sflag:s0] =	ssyncset.done @!p0 $0x0  }
0x9e: {  	[sflag:s0] =	ssyncadd.s32 @!p0 s1  }
0x9f: {  	[bflag:$0x3] =	sbarrier.arrive $0xFFFF  }
0xa0: {  	_ =	shalt  }

</sc_bundles>
